<compile_context>
chip_gen: v7x
topology: tpu7x:2x2x1
jax: 0.10.2.dev20260603
libtpu: 0.0.44.dev20260713+nightly
codegen_flags: <defaults>
</compile_context>

<pallas_src>
import functools

import jax
import jax.numpy as jnp
from jax import lax
from jax.experimental import pallas as pl
from jax.experimental.pallas import tpu as pltpu
from jax.experimental.pallas import tpu_sc as plsc

MAXLEN = 750
D = 64
B = 4096
L = 200
NC, NS = 2, 16
NW = NC * NS

G = 256
K = 1
PAIRS = L * B
PAIRS_PW = PAIRS // NW
GROUPS_PW = PAIRS_PW // G
CHUNKS = GROUPS_PW // K


def _sc_gather(table, bet_groups, ins_groups):
    mesh = plsc.VectorSubcoreMesh(core_axis_name="c", subcore_axis_name="s")

    @functools.partial(
        pl.kernel,
        out_type=jax.ShapeDtypeStruct((PAIRS, 2 * D), jnp.float32),
        mesh=mesh,
        scratch_types=[
            pltpu.VMEM((3, 2, K, G), jnp.int32),
            pltpu.VMEM((3, 2, K * G, D), jnp.float32),
            pltpu.VMEM_SHARED((MAXLEN, D), jnp.float32),
            pltpu.SemaphoreType.DMA,
            pltpu.SemaphoreType.DMA,
            pltpu.SemaphoreType.DMA,
        ],
        compiler_params=pltpu.CompilerParams(use_tc_tiling_on_sc=False),
    )
    def k(table_hbm, bet_hbm, ins_hbm, out_hbm, idx_v, rows_v, table_sp,
          gsem, isem, osem):
        wid = lax.axis_index("s") * NC + lax.axis_index("c")
        g_base = wid * GROUPS_PW

        @pl.when(lax.axis_index("s") == 0)
        def _():
            pltpu.sync_copy(table_hbm, table_sp)

        plsc.subcore_barrier()

        def idx_load(c, s):
            pltpu.async_copy(bet_hbm.at[pl.ds(g_base + c * K, K)],
                             idx_v.at[s, 0], isem)
            pltpu.async_copy(ins_hbm.at[pl.ds(g_base + c * K, K)],
                             idx_v.at[s, 1], isem)

        def drain_scatter():
            for h in range(2):
                pltpu.make_async_copy(
                    rows_v.at[0, h],
                    out_hbm.at[pl.ds(0, K * G), pl.ds(0, D)],
                    osem,
                ).wait()

        def fire_gathers(c, s):
            for h in range(2):
                for j in range(K):
                    pltpu.async_copy(
                        table_sp.at[idx_v.at[s, h, j]],
                        rows_v.at[s, h, pl.ds(j * G, G)],
                        gsem,
                    )

        def drain_idx_pair():
            for _ in range(2):
                pltpu.make_async_copy(
                    bet_hbm.at[pl.ds(0, K)], idx_v.at[0, 0], isem
                ).wait()

        def drain_gathers():
            for h in range(2):
                for _ in range(K):
                    pltpu.make_async_copy(
                        out_hbm.at[pl.ds(0, G), pl.ds(0, D)],
                        rows_v.at[0, 0, pl.ds(0, G)],
                        gsem,
                    ).wait()

        idx_load(0, 0)
        idx_load(1, 1)
        drain_idx_pair()
        fire_gathers(0, 0)

        def chunk(i, carry):
            s = lax.rem(i, 3)
            s1 = lax.rem(i + 1, 3)

            @pl.when(i + 2 < CHUNKS)
            def _():
                idx_load(i + 2, lax.rem(i + 2, 3))

            @pl.when(i + 1 < CHUNKS)
            def _():
                drain_idx_pair()

                @pl.when(i >= 2)
                def _():
                    drain_scatter()

                fire_gathers(i + 1, s1)

            drain_gathers()
            p0 = (g_base + i * K) * G
            for h in range(2):
                pltpu.async_copy(
                    rows_v.at[s, h],
                    out_hbm.at[pl.ds(p0, K * G), pl.ds(h * D, D)],
                    osem,
                )
            return carry

        lax.fori_loop(0, CHUNKS, chunk, 0)
        for _ in range(3):
            drain_scatter()

    return k(table, bet_groups, ins_groups)


def kernel(pos_embedding, between_memory_index, inside_memory_index):
    bet = between_memory_index.T.astype(jnp.int32).reshape(PAIRS // G, G)
    ins = inside_memory_index.T.astype(jnp.int32).reshape(PAIRS // G, G)
    rows = _sc_gather(pos_embedding, bet, ins)
    return rows.reshape(L, B, 2 * D)

# --- scband reference (transcript-rebuilt; emitter-appended) ---
"""Pipeline reference for scband-positional-encoding-memory-flag-55748675502716 (READ-ONLY COPY).

The authoritative reference and input builder live on the scoring server;
editing this copy changes nothing except your own understanding.
"""

import jax, jax.numpy as jnp
import numpy as np
import math

MAXLEN = 750
EMB_SIZE = 128
B = 4096
L = 200

def _build_pos_embedding():
    emb_half = EMB_SIZE // 2  # 64
    den = jnp.exp(-jnp.arange(0, emb_half, 2, dtype=jnp.float32) * math.log(10000.0) / emb_half)
    pos = jnp.arange(0, MAXLEN, dtype=jnp.float32).reshape(MAXLEN, 1)
    pe = jnp.zeros((MAXLEN, emb_half), dtype=jnp.float32)
    pe = pe.at[:, 0::2].set(jnp.sin(pos * den))
    pe = pe.at[:, 1::2].set(jnp.cos(pos * den))
    return pe

def setup_inputs(seed: int = 0) -> dict:
    key = jax.random.key(seed)
    k1, k2 = jax.random.split(key)
    between_memory_index = jax.random.randint(k1, (B, L), 0, MAXLEN, dtype=jnp.int64 if jax.config.jax_enable_x64 else jnp.int32)
    inside_memory_index = jax.random.randint(k2, (B, L), 0, MAXLEN, dtype=jnp.int64 if jax.config.jax_enable_x64 else jnp.int32)
    pos_embedding = _build_pos_embedding()
    return {
        "pos_embedding": pos_embedding,
        "between_memory_index": between_memory_index,
        "inside_memory_index": inside_memory_index,
    }

def reference(pos_embedding, between_memory_index, inside_memory_index):
    # memory_sampler == 'all' branch of the original torch module
    between_pos_embedding = jnp.take(pos_embedding, between_memory_index, axis=0).transpose((1, 0, 2))
    inside_pos_embedding = jnp.take(pos_embedding, inside_memory_index, axis=0).transpose((1, 0, 2))
    return jnp.concatenate((between_pos_embedding, inside_pos_embedding), axis=2)

if __name__ == "__main__":
    import jax
    _d = setup_inputs()
    print(jax.jit(kernel)(*tuple(_d.values())))

</pallas_src>

<mosaic_0001>
#map = affine_map<(d0, d1) -> (0, 0)>
module attributes {stable_mosaic.version = 14 : i64} {
  func.func @k(%arg0: i32, %arg1: i32, %arg2: memref<750x64xf32, #tpu.memory_space<hbm>>, %arg3: memref<3200x256xi32, #tpu.memory_space<hbm>>, %arg4: memref<3200x256xi32, #tpu.memory_space<hbm>>, %arg5: memref<819200x128xf32, #tpu.memory_space<hbm>>, %arg6: memref<3x2x1x256xi32, #tpu.memory_space<vmem>>, %arg7: memref<3x2x256x64xf32, #tpu.memory_space<vmem>>, %arg8: memref<750x64xf32, #tpu.memory_space<vmem_shared>>, %arg9: memref<!tpu.dma_semaphore, #tpu.memory_space<semaphore_mem>>, %arg10: memref<!tpu.dma_semaphore, #tpu.memory_space<semaphore_mem>>, %arg11: memref<!tpu.dma_semaphore, #tpu.memory_space<semaphore_mem>>) attributes {dimension_semantics = [#tpu.dimension_semantics<core_parallel>, #tpu.dimension_semantics<subcore_parallel>], iteration_bounds = array<i64: 2, 16>, scalar_prefetch = 0 : i64, scratch_operands = 6 : i64, tpu.core_type = #tpu.core_type<sc_vector_subcore>, window_params = [{transform_indices = #map}, {transform_indices = #map}, {transform_indices = #map}, {transform_indices = #map}]} {
    %mul3A = arith.constant 2 : i32
    %mul3A_0 = arith.muli %arg1, %mul3A : i32
    %add3A = arith.addi %mul3A_0, %arg0 : i32
    %mul3A_1 = arith.constant 100 : i32
    %mul3A_2 = arith.muli %add3A, %mul3A_1 : i32
    %eq3A = arith.constant 0 : i32
    %eq3A_3 = arith.cmpi eq, %arg1, %eq3A : i32
    %convert_element_type3A = arith.extui %eq3A_3 : i1 to i32
    %cond3A = arith.constant 0 : i32
    %cond3A_4 = arith.cmpi ne, %convert_element_type3A, %cond3A : i32
    scf.if %cond3A_4 {
      "tpu.region"() ({
        %run_scoped3A = tpu.sem_alloc : memref<!tpu.dma_semaphore, #tpu.memory_space<semaphore_mem>>
        tpu.enqueue_dma source(%arg2 : memref<750x64xf32, #tpu.memory_space<hbm>>) target(%arg8 : memref<750x64xf32, #tpu.memory_space<vmem_shared>>) target_semaphore(%run_scoped3A : memref<!tpu.dma_semaphore, #tpu.memory_space<semaphore_mem>>)
        tpu.wait_dma2 semaphore(%run_scoped3A : memref<!tpu.dma_semaphore, #tpu.memory_space<semaphore_mem>>) src(%arg2 : memref<750x64xf32, #tpu.memory_space<hbm>>) dst(%arg8 : memref<750x64xf32, #tpu.memory_space<vmem_shared>>)
        tpu.yield
      }) : () -> ()
    } else {
    }
    %barrier3A = arith.constant 0 : index
    tpu.barrier barrier_id(%barrier3A)
    %add3A_5 = arith.constant 0 : i32
    %add3A_6 = arith.addi %mul3A_2, %add3A_5 : i32
    %dma_start3A = arith.constant 0 : i32
    %dma_start3A_7 = arith.constant 0 : i32
    %dma_start3A_8 = arith.constant 0 : i32
    %dma_start3A_9 = arith.constant 0 : i32
    %dma_start3A_10 = tpu.memref_slice %arg6[%dma_start3A, %dma_start3A_7, %dma_start3A_8, %dma_start3A_9] : memref<3x2x1x256xi32, #tpu.memory_space<vmem>> -> memref<1x1x1x256xi32, #tpu.memory_space<vmem>>
    %dma_start3A_11 = tpu.memref_squeeze %dma_start3A_10 : memref<1x1x1x256xi32, #tpu.memory_space<vmem>> -> memref<1x256xi32, #tpu.memory_space<vmem>>
    %dma_start3A_12 = arith.constant 0 : i32
    %dma_start3A_13 = tpu.memref_slice %arg3[%add3A_6, %dma_start3A_12] : memref<3200x256xi32, #tpu.memory_space<hbm>> -> memref<1x256xi32, #tpu.memory_space<hbm>>
    %dma_start3A_14 = arith.constant 0 : i32
    %dma_start3A_15 = arith.constant 0 : i32
    %dma_start3A_16 = tpu.memref_slice %arg6[%dma_start3A, %dma_start3A_7, %dma_start3A_14, %dma_start3A_15] : memref<3x2x1x256xi32, #tpu.memory_space<vmem>> -> memref<1x1x1x256xi32, #tpu.memory_space<vmem>>
    %dma_start3A_17 = tpu.memref_squeeze %dma_start3A_16 : memref<1x1x1x256xi32, #tpu.memory_space<vmem>> -> memref<1x256xi32, #tpu.memory_space<vmem>>
    %dma_start3A_18 = arith.constant 0 : i32
    %dma_start3A_19 = tpu.memref_slice %arg3[%add3A_6, %dma_start3A_18] : memref<3200x256xi32, #tpu.memory_space<hbm>> -> memref<1x256xi32, #tpu.memory_space<hbm>>
    tpu.enqueue_dma source(%dma_start3A_19 : memref<1x256xi32, #tpu.memory_space<hbm>>) target(%dma_start3A_17 : memref<1x256xi32, #tpu.memory_space<vmem>>) target_semaphore(%arg10 : memref<!tpu.dma_semaphore, #tpu.memory_space<semaphore_mem>>)
    %add3A_20 = arith.constant 0 : i32
    %add3A_21 = arith.addi %mul3A_2, %add3A_20 : i32
    %dma_start3A_22 = arith.constant 0 : i32
    %dma_start3A_23 = arith.constant 1 : i32
    %dma_start3A_24 = arith.constant 0 : i32
    %dma_start3A_25 = arith.constant 0 : i32
    %dma_start3A_26 = tpu.memref_slice %arg6[%dma_start3A_22, %dma_start3A_23, %dma_start3A_24, %dma_start3A_25] : memref<3x2x1x256xi32, #tpu.memory_space<vmem>> -> memref<1x1x1x256xi32, #tpu.memory_space<vmem>>
    %dma_start3A_27 = tpu.memref_squeeze %dma_start3A_26 : memref<1x1x1x256xi32, #tpu.memory_space<vmem>> -> memref<1x256xi32, #tpu.memory_space<vmem>>
    %dma_start3A_28 = arith.constant 0 : i32
    %dma_start3A_29 = tpu.memref_slice %arg4[%add3A_21, %dma_start3A_28] : memref<3200x256xi32, #tpu.memory_space<hbm>> -> memref<1x256xi32, #tpu.memory_space<hbm>>
    %dma_start3A_30 = arith.constant 0 : i32
    %dma_start3A_31 = arith.constant 0 : i32
    %dma_start3A_32 = tpu.memref_slice %arg6[%dma_start3A_22, %dma_start3A_23, %dma_start3A_30, %dma_start3A_31] : memref<3x2x1x256xi32, #tpu.memory_space<vmem>> -> memref<1x1x1x256xi32, #tpu.memory_space<vmem>>
    %dma_start3A_33 = tpu.memref_squeeze %dma_start3A_32 : memref<1x1x1x256xi32, #tpu.memory_space<vmem>> -> memref<1x256xi32, #tpu.memory_space<vmem>>
    %dma_start3A_34 = arith.constant 0 : i32
    %dma_start3A_35 = tpu.memref_slice %arg4[%add3A_21, %dma_start3A_34] : memref<3200x256xi32, #tpu.memory_space<hbm>> -> memref<1x256xi32, #tpu.memory_space<hbm>>
    tpu.enqueue_dma source(%dma_start3A_35 : memref<1x256xi32, #tpu.memory_space<hbm>>) target(%dma_start3A_33 : memref<1x256xi32, #tpu.memory_space<vmem>>) target_semaphore(%arg10 : memref<!tpu.dma_semaphore, #tpu.memory_space<semaphore_mem>>)
    %add3A_36 = arith.constant 1 : i32
    %add3A_37 = arith.addi %mul3A_2, %add3A_36 : i32
    %dma_start3A_38 = arith.constant 1 : i32
    %dma_start3A_39 = arith.constant 0 : i32
    %dma_start3A_40 = arith.constant 0 : i32
    %dma_start3A_41 = arith.constant 0 : i32
    %dma_start3A_42 = tpu.memref_slice %arg6[%dma_start3A_38, %dma_start3A_39, %dma_start3A_40, %dma_start3A_41] : memref<3x2x1x256xi32, #tpu.memory_space<vmem>> -> memref<1x1x1x256xi32, #tpu.memory_space<vmem>>
    %dma_start3A_43 = tpu.memref_squeeze %dma_start3A_42 : memref<1x1x1x256xi32, #tpu.memory_space<vmem>> -> memref<1x256xi32, #tpu.memory_space<vmem>>
    %dma_start3A_44 = arith.constant 0 : i32
    %dma_start3A_45 = tpu.memref_slice %arg3[%add3A_37, %dma_start3A_44] : memref<3200x256xi32, #tpu.memory_space<hbm>> -> memref<1x256xi32, #tpu.memory_space<hbm>>
    %dma_start3A_46 = arith.constant 0 : i32
    %dma_start3A_47 = arith.constant 0 : i32
    %dma_start3A_48 = tpu.memref_slice %arg6[%dma_start3A_38, %dma_start3A_39, %dma_start3A_46, %dma_start3A_47] : memref<3x2x1x256xi32, #tpu.memory_space<vmem>> -> memref<1x1x1x256xi32, #tpu.memory_space<vmem>>
    %dma_start3A_49 = tpu.memref_squeeze %dma_start3A_48 : memref<1x1x1x256xi32, #tpu.memory_space<vmem>> -> memref<1x256xi32, #tpu.memory_space<vmem>>
    %dma_start3A_50 = arith.constant 0 : i32
    %dma_start3A_51 = tpu.memref_slice %arg3[%add3A_37, %dma_start3A_50] : memref<3200x256xi32, #tpu.memory_space<hbm>> -> memref<1x256xi32, #tpu.memory_space<hbm>>
    tpu.enqueue_dma source(%dma_start3A_51 : memref<1x256xi32, #tpu.memory_space<hbm>>) target(%dma_start3A_49 : memref<1x256xi32, #tpu.memory_space<vmem>>) target_semaphore(%arg10 : memref<!tpu.dma_semaphore, #tpu.memory_space<semaphore_mem>>)
    %add3A_52 = arith.constant 1 : i32
    %add3A_53 = arith.addi %mul3A_2, %add3A_52 : i32
    %dma_start3A_54 = arith.constant 1 : i32
    %dma_start3A_55 = arith.constant 1 : i32
    %dma_start3A_56 = arith.constant 0 : i32
    %dma_start3A_57 = arith.constant 0 : i32
    %dma_start3A_58 = tpu.memref_slice %arg6[%dma_start3A_54, %dma_start3A_55, %dma_start3A_56, %dma_start3A_57] : memref<3x2x1x256xi32, #tpu.memory_space<vmem>> -> memref<1x1x1x256xi32, #tpu.memory_space<vmem>>
    %dma_start3A_59 = tpu.memref_squeeze %dma_start3A_58 : memref<1x1x1x256xi32, #tpu.memory_space<vmem>> -> memref<1x256xi32, #tpu.memory_space<vmem>>
    %dma_start3A_60 = arith.constant 0 : i32
    %dma_start3A_61 = tpu.memref_slice %arg4[%add3A_53, %dma_start3A_60] : memref<3200x256xi32, #tpu.memory_space<hbm>> -> memref<1x256xi32, #tpu.memory_space<hbm>>
    %dma_start3A_62 = arith.constant 0 : i32
    %dma_start3A_63 = arith.constant 0 : i32
    %dma_start3A_64 = tpu.memref_slice %arg6[%dma_start3A_54, %dma_start3A_55, %dma_start3A_62, %dma_start3A_63] : memref<3x2x1x256xi32, #tpu.memory_space<vmem>> -> memref<1x1x1x256xi32, #tpu.memory_space<vmem>>
    %dma_start3A_65 = tpu.memref_squeeze %dma_start3A_64 : memref<1x1x1x256xi32, #tpu.memory_space<vmem>> -> memref<1x256xi32, #tpu.memory_space<vmem>>
    %dma_start3A_66 = arith.constant 0 : i32
    %dma_start3A_67 = tpu.memref_slice %arg4[%add3A_53, %dma_start3A_66] : memref<3200x256xi32, #tpu.memory_space<hbm>> -> memref<1x256xi32, #tpu.memory_space<hbm>>
    tpu.enqueue_dma source(%dma_start3A_67 : memref<1x256xi32, #tpu.memory_space<hbm>>) target(%dma_start3A_65 : memref<1x256xi32, #tpu.memory_space<vmem>>) target_semaphore(%arg10 : memref<!tpu.dma_semaphore, #tpu.memory_space<semaphore_mem>>)
    %dma_wait3A = arith.constant 0 : i32
    %dma_wait3A_68 = arith.constant 0 : i32
    %dma_wait3A_69 = arith.constant 0 : i32
    %dma_wait3A_70 = arith.constant 0 : i32
    %dma_wait3A_71 = tpu.memref_slice %arg6[%dma_wait3A, %dma_wait3A_68, %dma_wait3A_69, %dma_wait3A_70] : memref<3x2x1x256xi32, #tpu.memory_space<vmem>> -> memref<1x1x1x256xi32, #tpu.memory_space<vmem>>
    %dma_wait3A_72 = tpu.memref_squeeze %dma_wait3A_71 : memref<1x1x1x256xi32, #tpu.memory_space<vmem>> -> memref<1x256xi32, #tpu.memory_space<vmem>>
    %dma_wait3A_73 = arith.constant 0 : i32
    %dma_wait3A_74 = arith.constant 0 : i32
    %dma_wait3A_75 = tpu.memref_slice %arg3[%dma_wait3A_73, %dma_wait3A_74] : memref<3200x256xi32, #tpu.memory_space<hbm>> -> memref<1x256xi32, #tpu.memory_space<hbm>>
    %dma_wait3A_76 = arith.constant 0 : i32
    %dma_wait3A_77 = arith.constant 0 : i32
    %dma_wait3A_78 = tpu.memref_slice %arg6[%dma_wait3A, %dma_wait3A_68, %dma_wait3A_76, %dma_wait3A_77] : memref<3x2x1x256xi32, #tpu.memory_space<vmem>> -> memref<1x1x1x256xi32, #tpu.memory_space<vmem>>
    %dma_wait3A_79 = tpu.memref_squeeze %dma_wait3A_78 : memref<1x1x1x256xi32, #tpu.memory_space<vmem>> -> memref<1x256xi32, #tpu.memory_space<vmem>>
    %dma_wait3A_80 = arith.constant 0 : i32
    %dma_wait3A_81 = arith.constant 0 : i32
    %dma_wait3A_82 = tpu.memref_slice %arg3[%dma_wait3A_80, %dma_wait3A_81] : memref<3200x256xi32, #tpu.memory_space<hbm>> -> memref<1x256xi32, #tpu.memory_space<hbm>>
    tpu.wait_dma2 semaphore(%arg10 : memref<!tpu.dma_semaphore, #tpu.memory_space<semaphore_mem>>) src(%dma_wait3A_82 : memref<1x256xi32, #tpu.memory_space<hbm>>) dst(%dma_wait3A_79 : memref<1x256xi32, #tpu.memory_space<vmem>>)
    %dma_wait3A_83 = arith.constant 0 : i32
    %dma_wait3A_84 = arith.constant 0 : i32
    %dma_wait3A_85 = arith.constant 0 : i32
    %dma_wait3A_86 = arith.constant 0 : i32
    %dma_wait3A_87 = tpu.memref_slice %arg6[%dma_wait3A_83, %dma_wait3A_84, %dma_wait3A_85, %dma_wait3A_86] : memref<3x2x1x256xi32, #tpu.memory_space<vmem>> -> memref<1x1x1x256xi32, #tpu.memory_space<vmem>>
    %dma_wait3A_88 = tpu.memref_squeeze %dma_wait3A_87 : memref<1x1x1x256xi32, #tpu.memory_space<vmem>> -> memref<1x256xi32, #tpu.memory_space<vmem>>
    %dma_wait3A_89 = arith.constant 0 : i32
    %dma_wait3A_90 = arith.constant 0 : i32
    %dma_wait3A_91 = tpu.memref_slice %arg3[%dma_wait3A_89, %dma_wait3A_90] : memref<3200x256xi32, #tpu.memory_space<hbm>> -> memref<1x256xi32, #tpu.memory_space<hbm>>
    %dma_wait3A_92 = arith.constant 0 : i32
    %dma_wait3A_93 = arith.constant 0 : i32
    %dma_wait3A_94 = tpu.memref_slice %arg6[%dma_wait3A_83, %dma_wait3A_84, %dma_wait3A_92, %dma_wait3A_93] : memref<3x2x1x256xi32, #tpu.memory_space<vmem>> -> memref<1x1x1x256xi32, #tpu.memory_space<vmem>>
    %dma_wait3A_95 = tpu.memref_squeeze %dma_wait3A_94 : memref<1x1x1x256xi32, #tpu.memory_space<vmem>> -> memref<1x256xi32, #tpu.memory_space<vmem>>
    %dma_wait3A_96 = arith.constant 0 : i32
    %dma_wait3A_97 = arith.constant 0 : i32
    %dma_wait3A_98 = tpu.memref_slice %arg3[%dma_wait3A_96, %dma_wait3A_97] : memref<3200x256xi32, #tpu.memory_space<hbm>> -> memref<1x256xi32, #tpu.memory_space<hbm>>
    tpu.wait_dma2 semaphore(%arg10 : memref<!tpu.dma_semaphore, #tpu.memory_space<semaphore_mem>>) src(%dma_wait3A_98 : memref<1x256xi32, #tpu.memory_space<hbm>>) dst(%dma_wait3A_95 : memref<1x256xi32, #tpu.memory_space<vmem>>)
    %dma_start3A_99 = arith.constant 0 : i32
    %dma_start3A_100 = arith.constant 0 : i32
    %dma_start3A_101 = arith.constant 0 : i32
    %dma_start3A_102 = arith.constant 0 : i32
    %dma_start3A_103 = arith.constant 0 : i32
    %dma_start3A_104 = arith.constant 0 : i32
    %dma_start3A_105 = arith.constant 0 : i32
    %dma_start3A_106 = tpu.memref_slice %arg7[%dma_start3A_102, %dma_start3A_103, %dma_start3A_104, %dma_start3A_105] : memref<3x2x256x64xf32, #tpu.memory_space<vmem>> -> memref<1x1x256x64xf32, #tpu.memory_space<vmem>>
    %dma_start3A_107 = tpu.memref_squeeze %dma_start3A_106 : memref<1x1x256x64xf32, #tpu.memory_space<vmem>> -> memref<256x64xf32, #tpu.memory_space<vmem>>
    %dma_start3A_108 = arith.constant 0 : i32
    %dma_start3A_109 = tpu.memref_slice %arg6[%dma_start3A_99, %dma_start3A_100, %dma_start3A_101, %dma_start3A_108] : memref<3x2x1x256xi32, #tpu.memory_space<vmem>> -> memref<1x1x1x256xi32, #tpu.memory_space<vmem>>
    %dma_start3A_110 = tpu.memref_squeeze %dma_start3A_109 : memref<1x1x1x256xi32, #tpu.memory_space<vmem>> -> memref<256xi32, #tpu.memory_space<vmem>>
    %dma_start3A_111 = arith.constant 0 : i32
    %dma_start3A_112 = arith.constant 0 : i32
    %dma_start3A_113 = tpu.memref_slice %arg8[%dma_start3A_111, %dma_start3A_112] : memref<750x64xf32, #tpu.memory_space<vmem_shared>> -> memref<750x64xf32, #tpu.memory_space<vmem_shared>>
    tpu.enqueue_indirect_dma source(%dma_start3A_113 : memref<750x64xf32, #tpu.memory_space<vmem_shared>>) target(%dma_start3A_107 : memref<256x64xf32, #tpu.memory_space<vmem>>) offsets(%dma_start3A_110 : memref<256xi32, #tpu.memory_space<vmem>>) semaphore(%arg9 : memref<!tpu.dma_semaphore, #tpu.memory_space<semaphore_mem>>)
    %dma_start3A_114 = arith.constant 0 : i32
    %dma_start3A_115 = arith.constant 1 : i32
    %dma_start3A_116 = arith.constant 0 : i32
    %dma_start3A_117 = arith.constant 0 : i32
    %dma_start3A_118 = arith.constant 1 : i32
    %dma_start3A_119 = arith.constant 0 : i32
    %dma_start3A_120 = arith.constant 0 : i32
    %dma_start3A_121 = tpu.memref_slice %arg7[%dma_start3A_117, %dma_start3A_118, %dma_start3A_119, %dma_start3A_120] : memref<3x2x256x64xf32, #tpu.memory_space<vmem>> -> memref<1x1x256x64xf32, #tpu.memory_space<vmem>>
    %dma_start3A_122 = tpu.memref_squeeze %dma_start3A_121 : memref<1x1x256x64xf32, #tpu.memory_space<vmem>> -> memref<256x64xf32, #tpu.memory_space<vmem>>
    %dma_start3A_123 = arith.constant 0 : i32
    %dma_start3A_124 = tpu.memref_slice %arg6[%dma_start3A_114, %dma_start3A_115, %dma_start3A_116, %dma_start3A_123] : memref<3x2x1x256xi32, #tpu.memory_space<vmem>> -> memref<1x1x1x256xi32, #tpu.memory_space<vmem>>
    %dma_start3A_125 = tpu.memref_squeeze %dma_start3A_124 : memref<1x1x1x256xi32, #tpu.memory_space<vmem>> -> memref<256xi32, #tpu.memory_space<vmem>>
    %dma_start3A_126 = arith.constant 0 : i32
    %dma_start3A_127 = arith.constant 0 : i32
    %dma_start3A_128 = tpu.memref_slice %arg8[%dma_start3A_126, %dma_start3A_127] : memref<750x64xf32, #tpu.memory_space<vmem_shared>> -> memref<750x64xf32, #tpu.memory_space<vmem_shared>>
    tpu.enqueue_indirect_dma source(%dma_start3A_128 : memref<750x64xf32, #tpu.memory_space<vmem_shared>>) target(%dma_start3A_122 : memref<256x64xf32, #tpu.memory_space<vmem>>) offsets(%dma_start3A_125 : memref<256xi32, #tpu.memory_space<vmem>>) semaphore(%arg9 : memref<!tpu.dma_semaphore, #tpu.memory_space<semaphore_mem>>)
    %scan3A = arith.constant 0 : i32
    %scan3A_129 = arith.constant 0 : i32
    %scan3A_130 = arith.constant 100 : i32
    %scan3A_131 = arith.addi %scan3A_129, %scan3A_130 : i32
    %scan3A_132 = arith.constant 1 : i32
    scf.for %scan3A_230 = %scan3A_129 to %scan3A_131 step %scan3A_132  : i32 {
      %rem3A = arith.constant 3 : i32
      %rem3A_231 = arith.remsi %scan3A_230, %rem3A : i32
      %add3A_232 = arith.constant 1 : i32
      %add3A_233 = arith.addi %scan3A_230, %add3A_232 : i32
      %rem3A_234 = arith.constant 3 : i32
      %rem3A_235 = arith.remsi %add3A_233, %rem3A_234 : i32
      %add3A_236 = arith.constant 2 : i32
      %add3A_237 = arith.addi %scan3A_230, %add3A_236 : i32
      %lt3A = arith.constant 100 : i32
      %lt3A_238 = arith.cmpi slt, %add3A_237, %lt3A : i32
      %convert_element_type3A_239 = arith.extui %lt3A_238 : i1 to i32
      %cond3A_240 = arith.constant 0 : i32
      %cond3A_241 = arith.cmpi ne, %convert_element_type3A_239, %cond3A_240 : i32
      scf.if %cond3A_241 {
        %add3A_312 = arith.constant 2 : i32
        %add3A_313 = arith.addi %scan3A_230, %add3A_312 : i32
        %add3A_314 = arith.constant 2 : i32
        %add3A_315 = arith.addi %scan3A_230, %add3A_314 : i32
        %rem3A_316 = arith.constant 3 : i32
        %rem3A_317 = arith.remsi %add3A_315, %rem3A_316 : i32
        %mul3A_318 = arith.constant 1 : i32
        %mul3A_319 = arith.muli %add3A_313, %mul3A_318 : i32
        %add3A_320 = arith.addi %mul3A_2, %mul3A_319 : i32
        %dma_start3A_321 = arith.constant 0 : i32
        %dma_start3A_322 = arith.constant 0 : i32
        %dma_start3A_323 = arith.constant 0 : i32
        %dma_start3A_324 = tpu.memref_slice %arg6[%rem3A_317, %dma_start3A_321, %dma_start3A_322, %dma_start3A_323] : memref<3x2x1x256xi32, #tpu.memory_space<vmem>> -> memref<1x1x1x256xi32, #tpu.memory_space<vmem>>
        %dma_start3A_325 = tpu.memref_squeeze %dma_start3A_324 : memref<1x1x1x256xi32, #tpu.memory_space<vmem>> -> memref<1x256xi32, #tpu.memory_space<vmem>>
        %dma_start3A_326 = arith.constant 0 : i32
        %dma_start3A_327 = tpu.memref_slice %arg3[%add3A_320, %dma_start3A_326] : memref<3200x256xi32, #tpu.memory_space<hbm>> -> memref<1x256xi32, #tpu.memory_space<hbm>>
        %dma_start3A_328 = arith.constant 0 : i32
        %dma_start3A_329 = arith.constant 0 : i32
        %dma_start3A_330 = tpu.memref_slice %arg6[%rem3A_317, %dma_start3A_321, %dma_start3A_328, %dma_start3A_329] : memref<3x2x1x256xi32, #tpu.memory_space<vmem>> -> memref<1x1x1x256xi32, #tpu.memory_space<vmem>>
        %dma_start3A_331 = tpu.memref_squeeze %dma_start3A_330 : memref<1x1x1x256xi32, #tpu.memory_space<vmem>> -> memref<1x256xi32, #tpu.memory_space<vmem>>
        %dma_start3A_332 = arith.constant 0 : i32
        %dma_start3A_333 = tpu.memref_slice %arg3[%add3A_320, %dma_start3A_332] : memref<3200x256xi32, #tpu.memory_space<hbm>> -> memref<1x256xi32, #tpu.memory_space<hbm>>
        tpu.enqueue_dma source(%dma_start3A_333 : memref<1x256xi32, #tpu.memory_space<hbm>>) target(%dma_start3A_331 : memref<1x256xi32, #tpu.memory_space<vmem>>) target_semaphore(%arg10 : memref<!tpu.dma_semaphore, #tpu.memory_space<semaphore_mem>>)
        %mul3A_334 = arith.constant 1 : i32
        %mul3A_335 = arith.muli %add3A_313, %mul3A_334 : i32
        %add3A_336 = arith.addi %mul3A_2, %mul3A_335 : i32
        %dma_start3A_337 = arith.constant 1 : i32
        %dma_start3A_338 = arith.constant 0 : i32
        %dma_start3A_339 = arith.constant 0 : i32
        %dma_start3A_340 = tpu.memref_slice %arg6[%rem3A_317, %dma_start3A_337, %dma_start3A_338, %dma_start3A_339] : memref<3x2x1x256xi32, #tpu.memory_space<vmem>> -> memref<1x1x1x256xi32, #tpu.memory_space<vmem>>
        %dma_start3A_341 = tpu.memref_squeeze %dma_start3A_340 : memref<1x1x1x256xi32, #tpu.memory_space<vmem>> -> memref<1x256xi32, #tpu.memory_space<vmem>>
        %dma_start3A_342 = arith.constant 0 : i32
        %dma_start3A_343 = tpu.memref_slice %arg4[%add3A_336, %dma_start3A_342] : memref<3200x256xi32, #tpu.memory_space<hbm>> -> memref<1x256xi32, #tpu.memory_space<hbm>>
        %dma_start3A_344 = arith.constant 0 : i32
        %dma_start3A_345 = arith.constant 0 : i32
        %dma_start3A_346 = tpu.memref_slice %arg6[%rem3A_317, %dma_start3A_337, %dma_start3A_344, %dma_start3A_345] : memref<3x2x1x256xi32, #tpu.memory_space<vmem>> -> memref<1x1x1x256xi32, #tpu.memory_space<vmem>>
        %dma_start3A_347 = tpu.memref_squeeze %dma_start3A_346 : memref<1x1x1x256xi32, #tpu.memory_space<vmem>> -> memref<1x256xi32, #tpu.memory_space<vmem>>
        %dma_start3A_348 = arith.constant 0 : i32
        %dma_start3A_349 = tpu.memref_slice %arg4[%add3A_336, %dma_start3A_348] : memref<3200x256xi32, #tpu.memory_space<hbm>> -> memref<1x256xi32, #tpu.memory_space<hbm>>
        tpu.enqueue_dma source(%dma_start3A_349 : memref<1x256xi32, #tpu.memory_space<hbm>>) target(%dma_start3A_347 : memref<1x256xi32, #tpu.memory_space<vmem>>) target_semaphore(%arg10 : memref<!tpu.dma_semaphore, #tpu.memory_space<semaphore_mem>>)
      } else {
      }
      %add3A_242 = arith.constant 1 : i32
      %add3A_243 = arith.addi %scan3A_230, %add3A_242 : i32
      %lt3A_244 = arith.constant 100 : i32
      %lt3A_245 = arith.cmpi slt, %add3A_243, %lt3A_244 : i32
      %convert_element_type3A_246 = arith.extui %lt3A_245 : i1 to i32
      %cond3A_247 = arith.constant 0 : i32
      %cond3A_248 = arith.cmpi ne, %convert_element_type3A_246, %cond3A_247 : i32
      scf.if %cond3A_248 {
        %dma_wait3A_312 = arith.constant 0 : i32
        %dma_wait3A_313 = arith.constant 0 : i32
        %dma_wait3A_314 = arith.constant 0 : i32
        %dma_wait3A_315 = arith.constant 0 : i32
        %dma_wait3A_316 = tpu.memref_slice %arg6[%dma_wait3A_312, %dma_wait3A_313, %dma_wait3A_314, %dma_wait3A_315] : memref<3x2x1x256xi32, #tpu.memory_space<vmem>> -> memref<1x1x1x256xi32, #tpu.memory_space<vmem>>
        %dma_wait3A_317 = tpu.memref_squeeze %dma_wait3A_316 : memref<1x1x1x256xi32, #tpu.memory_space<vmem>> -> memref<1x256xi32, #tpu.memory_space<vmem>>
        %dma_wait3A_318 = arith.constant 0 : i32
        %dma_wait3A_319 = arith.constant 0 : i32
        %dma_wait3A_320 = tpu.memref_slice %arg3[%dma_wait3A_318, %dma_wait3A_319] : memref<3200x256xi32, #tpu.memory_space<hbm>> -> memref<1x256xi32, #tpu.memory_space<hbm>>
        %dma_wait3A_321 = arith.constant 0 : i32
        %dma_wait3A_322 = arith.constant 0 : i32
        %dma_wait3A_323 = tpu.memref_slice %arg6[%dma_wait3A_312, %dma_wait3A_313, %dma_wait3A_321, %dma_wait3A_322] : memref<3x2x1x256xi32, #tpu.memory_space<vmem>> -> memref<1x1x1x256xi32, #tpu.memory_space<vmem>>
        %dma_wait3A_324 = tpu.memref_squeeze %dma_wait3A_323 : memref<1x1x1x256xi32, #tpu.memory_space<vmem>> -> memref<1x256xi32, #tpu.memory_space<vmem>>
        %dma_wait3A_325 = arith.constant 0 : i32
        %dma_wait3A_326 = arith.constant 0 : i32
        %dma_wait3A_327 = tpu.memref_slice %arg3[%dma_wait3A_325, %dma_wait3A_326] : memref<3200x256xi32, #tpu.memory_space<hbm>> -> memref<1x256xi32, #tpu.memory_space<hbm>>
        tpu.wait_dma2 semaphore(%arg10 : memref<!tpu.dma_semaphore, #tpu.memory_space<semaphore_mem>>) src(%dma_wait3A_327 : memref<1x256xi32, #tpu.memory_space<hbm>>) dst(%dma_wait3A_324 : memref<1x256xi32, #tpu.memory_space<vmem>>)
        %dma_wait3A_328 = arith.constant 0 : i32
        %dma_wait3A_329 = arith.constant 0 : i32
        %dma_wait3A_330 = arith.constant 0 : i32
        %dma_wait3A_331 = arith.constant 0 : i32
        %dma_wait3A_332 = tpu.memref_slice %arg6[%dma_wait3A_328, %dma_wait3A_329, %dma_wait3A_330, %dma_wait3A_331] : memref<3x2x1x256xi32, #tpu.memory_space<vmem>> -> memref<1x1x1x256xi32, #tpu.memory_space<vmem>>
        %dma_wait3A_333 = tpu.memref_squeeze %dma_wait3A_332 : memref<1x1x1x256xi32, #tpu.memory_space<vmem>> -> memref<1x256xi32, #tpu.memory_space<vmem>>
        %dma_wait3A_334 = arith.constant 0 : i32
        %dma_wait3A_335 = arith.constant 0 : i32
        %dma_wait3A_336 = tpu.memref_slice %arg3[%dma_wait3A_334, %dma_wait3A_335] : memref<3200x256xi32, #tpu.memory_space<hbm>> -> memref<1x256xi32, #tpu.memory_space<hbm>>
        %dma_wait3A_337 = arith.constant 0 : i32
        %dma_wait3A_338 = arith.constant 0 : i32
        %dma_wait3A_339 = tpu.memref_slice %arg6[%dma_wait3A_328, %dma_wait3A_329, %dma_wait3A_337, %dma_wait3A_338] : memref<3x2x1x256xi32, #tpu.memory_space<vmem>> -> memref<1x1x1x256xi32, #tpu.memory_space<vmem>>
        %dma_wait3A_340 = tpu.memref_squeeze %dma_wait3A_339 : memref<1x1x1x256xi32, #tpu.memory_space<vmem>> -> memref<1x256xi32, #tpu.memory_space<vmem>>
        %dma_wait3A_341 = arith.constant 0 : i32
        %dma_wait3A_342 = arith.constant 0 : i32
        %dma_wait3A_343 = tpu.memref_slice %arg3[%dma_wait3A_341, %dma_wait3A_342] : memref<3200x256xi32, #tpu.memory_space<hbm>> -> memref<1x256xi32, #tpu.memory_space<hbm>>
        tpu.wait_dma2 semaphore(%arg10 : memref<!tpu.dma_semaphore, #tpu.memory_space<semaphore_mem>>) src(%dma_wait3A_343 : memref<1x256xi32, #tpu.memory_space<hbm>>) dst(%dma_wait3A_340 : memref<1x256xi32, #tpu.memory_space<vmem>>)
        %ge3A = arith.constant 2 : i32
        %ge3A_344 = arith.cmpi sge, %scan3A_230, %ge3A : i32
        %convert_element_type3A_345 = arith.extui %ge3A_344 : i1 to i32
        %cond3A_346 = arith.constant 0 : i32
        %cond3A_347 = arith.cmpi ne, %convert_element_type3A_345, %cond3A_346 : i32
        scf.if %cond3A_347 {
          %dma_wait3A_376 = arith.constant 0 : i32
          %dma_wait3A_377 = arith.constant 0 : i32
          %dma_wait3A_378 = arith.constant 0 : i32
          %dma_wait3A_379 = arith.constant 0 : i32
          %dma_wait3A_380 = tpu.memref_slice %arg7[%dma_wait3A_376, %dma_wait3A_377, %dma_wait3A_378, %dma_wait3A_379] : memref<3x2x256x64xf32, #tpu.memory_space<vmem>> -> memref<1x1x256x64xf32, #tpu.memory_space<vmem>>
          %dma_wait3A_381 = tpu.memref_squeeze %dma_wait3A_380 : memref<1x1x256x64xf32, #tpu.memory_space<vmem>> -> memref<256x64xf32, #tpu.memory_space<vmem>>
          %dma_wait3A_382 = arith.constant 0 : i32
          %dma_wait3A_383 = arith.constant 0 : i32
          %dma_wait3A_384 = tpu.memref_slice %arg5[%dma_wait3A_382, %dma_wait3A_383] : memref<819200x128xf32, #tpu.memory_space<hbm>> -> memref<256x64xf32, #tpu.memory_space<hbm>>
          %dma_wait3A_385 = arith.constant 0 : i32
          %dma_wait3A_386 = arith.constant 0 : i32
          %dma_wait3A_387 = tpu.memref_slice %arg5[%dma_wait3A_385, %dma_wait3A_386] : memref<819200x128xf32, #tpu.memory_space<hbm>> -> memref<256x64xf32, #tpu.memory_space<hbm>>
          %dma_wait3A_388 = arith.constant 0 : i32
          %dma_wait3A_389 = arith.constant 0 : i32
          %dma_wait3A_390 = tpu.memref_slice %arg7[%dma_wait3A_376, %dma_wait3A_377, %dma_wait3A_388, %dma_wait3A_389] : memref<3x2x256x64xf32, #tpu.memory_space<vmem>> -> memref<1x1x256x64xf32, #tpu.memory_space<vmem>>
          %dma_wait3A_391 = tpu.memref_squeeze %dma_wait3A_390 : memref<1x1x256x64xf32, #tpu.memory_space<vmem>> -> memref<256x64xf32, #tpu.memory_space<vmem>>
          tpu.wait_dma2 semaphore(%arg11 : memref<!tpu.dma_semaphore, #tpu.memory_space<semaphore_mem>>) src(%dma_wait3A_391 : memref<256x64xf32, #tpu.memory_space<vmem>>) dst(%dma_wait3A_387 : memref<256x64xf32, #tpu.memory_space<hbm>>)
          %dma_wait3A_392 = arith.constant 0 : i32
          %dma_wait3A_393 = arith.constant 1 : i32
          %dma_wait3A_394 = arith.constant 0 : i32
          %dma_wait3A_395 = arith.constant 0 : i32
          %dma_wait3A_396 = tpu.memref_slice %arg7[%dma_wait3A_392, %dma_wait3A_393, %dma_wait3A_394, %dma_wait3A_395] : memref<3x2x256x64xf32, #tpu.memory_space<vmem>> -> memref<1x1x256x64xf32, #tpu.memory_space<vmem>>
          %dma_wait3A_397 = tpu.memref_squeeze %dma_wait3A_396 : memref<1x1x256x64xf32, #tpu.memory_space<vmem>> -> memref<256x64xf32, #tpu.memory_space<vmem>>
          %dma_wait3A_398 = arith.constant 0 : i32
          %dma_wait3A_399 = arith.constant 0 : i32
          %dma_wait3A_400 = tpu.memref_slice %arg5[%dma_wait3A_398, %dma_wait3A_399] : memref<819200x128xf32, #tpu.memory_space<hbm>> -> memref<256x64xf32, #tpu.memory_space<hbm>>
          %dma_wait3A_401 = arith.constant 0 : i32
          %dma_wait3A_402 = arith.constant 0 : i32
          %dma_wait3A_403 = tpu.memref_slice %arg5[%dma_wait3A_401, %dma_wait3A_402] : memref<819200x128xf32, #tpu.memory_space<hbm>> -> memref<256x64xf32, #tpu.memory_space<hbm>>
          %dma_wait3A_404 = arith.constant 0 : i32
          %dma_wait3A_405 = arith.constant 0 : i32
          %dma_wait3A_406 = tpu.memref_slice %arg7[%dma_wait3A_392, %dma_wait3A_393, %dma_wait3A_404, %dma_wait3A_405] : memref<3x2x256x64xf32, #tpu.memory_space<vmem>> -> memref<1x1x256x64xf32, #tpu.memory_space<vmem>>
          %dma_wait3A_407 = tpu.memref_squeeze %dma_wait3A_406 : memref<1x1x256x64xf32, #tpu.memory_space<vmem>> -> memref<256x64xf32, #tpu.memory_space<vmem>>
          tpu.wait_dma2 semaphore(%arg11 : memref<!tpu.dma_semaphore, #tpu.memory_space<semaphore_mem>>) src(%dma_wait3A_407 : memref<256x64xf32, #tpu.memory_space<vmem>>) dst(%dma_wait3A_403 : memref<256x64xf32, #tpu.memory_space<hbm>>)
        } else {
        }
        %add3A_348 = arith.constant 1 : i32
        %add3A_349 = arith.addi %scan3A_230, %add3A_348 : i32
        %dma_start3A_350 = arith.constant 0 : i32
        %dma_start3A_351 = arith.constant 0 : i32
        %dma_start3A_352 = arith.constant 0 : i32
        %dma_start3A_353 = arith.constant 0 : i32
        %dma_start3A_354 = arith.constant 0 : i32
        %dma_start3A_355 = tpu.memref_slice %arg7[%rem3A_235, %dma_start3A_352, %dma_start3A_353, %dma_start3A_354] : memref<3x2x256x64xf32, #tpu.memory_space<vmem>> -> memref<1x1x256x64xf32, #tpu.memory_space<vmem>>
        %dma_start3A_356 = tpu.memref_squeeze %dma_start3A_355 : memref<1x1x256x64xf32, #tpu.memory_space<vmem>> -> memref<256x64xf32, #tpu.memory_space<vmem>>
        %dma_start3A_357 = arith.constant 0 : i32
        %dma_start3A_358 = tpu.memref_slice %arg6[%rem3A_235, %dma_start3A_350, %dma_start3A_351, %dma_start3A_357] : memref<3x2x1x256xi32, #tpu.memory_space<vmem>> -> memref<1x1x1x256xi32, #tpu.memory_space<vmem>>
        %dma_start3A_359 = tpu.memref_squeeze %dma_start3A_358 : memref<1x1x1x256xi32, #tpu.memory_space<vmem>> -> memref<256xi32, #tpu.memory_space<vmem>>
        %dma_start3A_360 = arith.constant 0 : i32
        %dma_start3A_361 = arith.constant 0 : i32
        %dma_start3A_362 = tpu.memref_slice %arg8[%dma_start3A_360, %dma_start3A_361] : memref<750x64xf32, #tpu.memory_space<vmem_shared>> -> memref<750x64xf32, #tpu.memory_space<vmem_shared>>
        tpu.enqueue_indirect_dma source(%dma_start3A_362 : memref<750x64xf32, #tpu.memory_space<vmem_shared>>) target(%dma_start3A_356 : memref<256x64xf32, #tpu.memory_space<vmem>>) offsets(%dma_start3A_359 : memref<256xi32, #tpu.memory_space<vmem>>) semaphore(%arg9 : memref<!tpu.dma_semaphore, #tpu.memory_space<semaphore_mem>>)
        %dma_start3A_363 = arith.constant 1 : i32
        %dma_start3A_364 = arith.constant 0 : i32
        %dma_start3A_365 = arith.constant 1 : i32
        %dma_start3A_366 = arith.constant 0 : i32
        %dma_start3A_367 = arith.constant 0 : i32
        %dma_start3A_368 = tpu.memref_slice %arg7[%rem3A_235, %dma_start3A_365, %dma_start3A_366, %dma_start3A_367] : memref<3x2x256x64xf32, #tpu.memory_space<vmem>> -> memref<1x1x256x64xf32, #tpu.memory_space<vmem>>
        %dma_start3A_369 = tpu.memref_squeeze %dma_start3A_368 : memref<1x1x256x64xf32, #tpu.memory_space<vmem>> -> memref<256x64xf32, #tpu.memory_space<vmem>>
        %dma_start3A_370 = arith.constant 0 : i32
        %dma_start3A_371 = tpu.memref_slice %arg6[%rem3A_235, %dma_start3A_363, %dma_start3A_364, %dma_start3A_370] : memref<3x2x1x256xi32, #tpu.memory_space<vmem>> -> memref<1x1x1x256xi32, #tpu.memory_space<vmem>>
        %dma_start3A_372 = tpu.memref_squeeze %dma_start3A_371 : memref<1x1x1x256xi32, #tpu.memory_space<vmem>> -> memref<256xi32, #tpu.memory_space<vmem>>
        %dma_start3A_373 = arith.constant 0 : i32
        %dma_start3A_374 = arith.constant 0 : i32
        %dma_start3A_375 = tpu.memref_slice %arg8[%dma_start3A_373, %dma_start3A_374] : memref<750x64xf32, #tpu.memory_space<vmem_shared>> -> memref<750x64xf32, #tpu.memory_space<vmem_shared>>
        tpu.enqueue_indirect_dma source(%dma_start3A_375 : memref<750x64xf32, #tpu.memory_space<vmem_shared>>) target(%dma_start3A_369 : memref<256x64xf32, #tpu.memory_space<vmem>>) offsets(%dma_start3A_372 : memref<256xi32, #tpu.memory_space<vmem>>) semaphore(%arg9 : memref<!tpu.dma_semaphore, #tpu.memory_space<semaphore_mem>>)
      } else {
      }
      %dma_wait3A_249 = arith.constant 0 : i32
      %dma_wait3A_250 = arith.constant 0 : i32
      %dma_wait3A_251 = arith.constant 0 : i32
      %dma_wait3A_252 = arith.constant 0 : i32
      %dma_wait3A_253 = tpu.memref_slice %arg7[%dma_wait3A_249, %dma_wait3A_250, %dma_wait3A_251, %dma_wait3A_252] : memref<3x2x256x64xf32, #tpu.memory_space<vmem>> -> memref<1x1x256x64xf32, #tpu.memory_space<vmem>>
      %dma_wait3A_254 = tpu.memref_squeeze %dma_wait3A_253 : memref<1x1x256x64xf32, #tpu.memory_space<vmem>> -> memref<256x64xf32, #tpu.memory_space<vmem>>
      %dma_wait3A_255 = arith.constant 0 : i32
      %dma_wait3A_256 = arith.constant 0 : i32
      %dma_wait3A_257 = tpu.memref_slice %arg5[%dma_wait3A_255, %dma_wait3A_256] : memref<819200x128xf32, #tpu.memory_space<hbm>> -> memref<256x64xf32, #tpu.memory_space<hbm>>
      %dma_wait3A_258 = arith.constant 0 : i32
      %dma_wait3A_259 = arith.constant 0 : i32
      %dma_wait3A_260 = tpu.memref_slice %arg7[%dma_wait3A_249, %dma_wait3A_250, %dma_wait3A_258, %dma_wait3A_259] : memref<3x2x256x64xf32, #tpu.memory_space<vmem>> -> memref<1x1x256x64xf32, #tpu.memory_space<vmem>>
      %dma_wait3A_261 = tpu.memref_squeeze %dma_wait3A_260 : memref<1x1x256x64xf32, #tpu.memory_space<vmem>> -> memref<256x64xf32, #tpu.memory_space<vmem>>
      %dma_wait3A_262 = arith.constant 0 : i32
      %dma_wait3A_263 = arith.constant 0 : i32
      %dma_wait3A_264 = tpu.memref_slice %arg5[%dma_wait3A_262, %dma_wait3A_263] : memref<819200x128xf32, #tpu.memory_space<hbm>> -> memref<256x64xf32, #tpu.memory_space<hbm>>
      tpu.wait_dma2 semaphore(%arg9 : memref<!tpu.dma_semaphore, #tpu.memory_space<semaphore_mem>>) src(%dma_wait3A_264 : memref<256x64xf32, #tpu.memory_space<hbm>>) dst(%dma_wait3A_261 : memref<256x64xf32, #tpu.memory_space<vmem>>)
      %dma_wait3A_265 = arith.constant 0 : i32
      %dma_wait3A_266 = arith.constant 0 : i32
      %dma_wait3A_267 = arith.constant 0 : i32
      %dma_wait3A_268 = arith.constant 0 : i32
      %dma_wait3A_269 = tpu.memref_slice %arg7[%dma_wait3A_265, %dma_wait3A_266, %dma_wait3A_267, %dma_wait3A_268] : memref<3x2x256x64xf32, #tpu.memory_space<vmem>> -> memref<1x1x256x64xf32, #tpu.memory_space<vmem>>
      %dma_wait3A_270 = tpu.memref_squeeze %dma_wait3A_269 : memref<1x1x256x64xf32, #tpu.memory_space<vmem>> -> memref<256x64xf32, #tpu.memory_space<vmem>>
      %dma_wait3A_271 = arith.constant 0 : i32
      %dma_wait3A_272 = arith.constant 0 : i32
      %dma_wait3A_273 = tpu.memref_slice %arg5[%dma_wait3A_271, %dma_wait3A_272] : memref<819200x128xf32, #tpu.memory_space<hbm>> -> memref<256x64xf32, #tpu.memory_space<hbm>>
      %dma_wait3A_274 = arith.constant 0 : i32
      %dma_wait3A_275 = arith.constant 0 : i32
      %dma_wait3A_276 = tpu.memref_slice %arg7[%dma_wait3A_265, %dma_wait3A_266, %dma_wait3A_274, %dma_wait3A_275] : memref<3x2x256x64xf32, #tpu.memory_space<vmem>> -> memref<1x1x256x64xf32, #tpu.memory_space<vmem>>
      %dma_wait3A_277 = tpu.memref_squeeze %dma_wait3A_276 : memref<1x1x256x64xf32, #tpu.memory_space<vmem>> -> memref<256x64xf32, #tpu.memory_space<vmem>>
      %dma_wait3A_278 = arith.constant 0 : i32
      %dma_wait3A_279 = arith.constant 0 : i32
      %dma_wait3A_280 = tpu.memref_slice %arg5[%dma_wait3A_278, %dma_wait3A_279] : memref<819200x128xf32, #tpu.memory_space<hbm>> -> memref<256x64xf32, #tpu.memory_space<hbm>>
      tpu.wait_dma2 semaphore(%arg9 : memref<!tpu.dma_semaphore, #tpu.memory_space<semaphore_mem>>) src(%dma_wait3A_280 : memref<256x64xf32, #tpu.memory_space<hbm>>) dst(%dma_wait3A_277 : memref<256x64xf32, #tpu.memory_space<vmem>>)
      %mul3A_281 = arith.constant 1 : i32
      %mul3A_282 = arith.muli %scan3A_230, %mul3A_281 : i32
      %add3A_283 = arith.addi %mul3A_2, %mul3A_282 : i32
      %mul3A_284 = arith.constant 256 : i32
      %mul3A_285 = arith.muli %add3A_283, %mul3A_284 : i32
      %dma_start3A_286 = arith.constant 0 : i32
      %dma_start3A_287 = arith.constant 0 : i32
      %dma_start3A_288 = arith.constant 0 : i32
      %dma_start3A_289 = tpu.memref_slice %arg7[%rem3A_231, %dma_start3A_286, %dma_start3A_287, %dma_start3A_288] : memref<3x2x256x64xf32, #tpu.memory_space<vmem>> -> memref<1x1x256x64xf32, #tpu.memory_space<vmem>>
      %dma_start3A_290 = tpu.memref_squeeze %dma_start3A_289 : memref<1x1x256x64xf32, #tpu.memory_space<vmem>> -> memref<256x64xf32, #tpu.memory_space<vmem>>
      %dma_start3A_291 = arith.constant 0 : i32
      %dma_start3A_292 = tpu.memref_slice %arg5[%mul3A_285, %dma_start3A_291] : memref<819200x128xf32, #tpu.memory_space<hbm>> -> memref<256x64xf32, #tpu.memory_space<hbm>>
      %dma_start3A_293 = arith.constant 0 : i32
      %dma_start3A_294 = tpu.memref_slice %arg5[%mul3A_285, %dma_start3A_293] : memref<819200x128xf32, #tpu.memory_space<hbm>> -> memref<256x64xf32, #tpu.memory_space<hbm>>
      %dma_start3A_295 = arith.constant 0 : i32
      %dma_start3A_296 = arith.constant 0 : i32
      %dma_start3A_297 = tpu.memref_slice %arg7[%rem3A_231, %dma_start3A_286, %dma_start3A_295, %dma_start3A_296] : memref<3x2x256x64xf32, #tpu.memory_space<vmem>> -> memref<1x1x256x64xf32, #tpu.memory_space<vmem>>
      %dma_start3A_298 = tpu.memref_squeeze %dma_start3A_297 : memref<1x1x256x64xf32, #tpu.memory_space<vmem>> -> memref<256x64xf32, #tpu.memory_space<vmem>>
      tpu.enqueue_dma source(%dma_start3A_298 : memref<256x64xf32, #tpu.memory_space<vmem>>) target(%dma_start3A_294 : memref<256x64xf32, #tpu.memory_space<hbm>>) target_semaphore(%arg11 : memref<!tpu.dma_semaphore, #tpu.memory_space<semaphore_mem>>)
      %dma_start3A_299 = arith.constant 1 : i32
      %dma_start3A_300 = arith.constant 0 : i32
      %dma_start3A_301 = arith.constant 0 : i32
      %dma_start3A_302 = tpu.memref_slice %arg7[%rem3A_231, %dma_start3A_299, %dma_start3A_300, %dma_start3A_301] : memref<3x2x256x64xf32, #tpu.memory_space<vmem>> -> memref<1x1x256x64xf32, #tpu.memory_space<vmem>>
      %dma_start3A_303 = tpu.memref_squeeze %dma_start3A_302 : memref<1x1x256x64xf32, #tpu.memory_space<vmem>> -> memref<256x64xf32, #tpu.memory_space<vmem>>
      %dma_start3A_304 = arith.constant 64 : i32
      %dma_start3A_305 = tpu.memref_slice %arg5[%mul3A_285, %dma_start3A_304] : memref<819200x128xf32, #tpu.memory_space<hbm>> -> memref<256x64xf32, #tpu.memory_space<hbm>>
      %dma_start3A_306 = arith.constant 64 : i32
      %dma_start3A_307 = tpu.memref_slice %arg5[%mul3A_285, %dma_start3A_306] : memref<819200x128xf32, #tpu.memory_space<hbm>> -> memref<256x64xf32, #tpu.memory_space<hbm>>
      %dma_start3A_308 = arith.constant 0 : i32
      %dma_start3A_309 = arith.constant 0 : i32
      %dma_start3A_310 = tpu.memref_slice %arg7[%rem3A_231, %dma_start3A_299, %dma_start3A_308, %dma_start3A_309] : memref<3x2x256x64xf32, #tpu.memory_space<vmem>> -> memref<1x1x256x64xf32, #tpu.memory_space<vmem>>
      %dma_start3A_311 = tpu.memref_squeeze %dma_start3A_310 : memref<1x1x256x64xf32, #tpu.memory_space<vmem>> -> memref<256x64xf32, #tpu.memory_space<vmem>>
      tpu.enqueue_dma source(%dma_start3A_311 : memref<256x64xf32, #tpu.memory_space<vmem>>) target(%dma_start3A_307 : memref<256x64xf32, #tpu.memory_space<hbm>>) target_semaphore(%arg11 : memref<!tpu.dma_semaphore, #tpu.memory_space<semaphore_mem>>)
    }
    %scan3A_133 = arith.constant 100 : i32
    %dma_wait3A_134 = arith.constant 0 : i32
    %dma_wait3A_135 = arith.constant 0 : i32
    %dma_wait3A_136 = arith.constant 0 : i32
    %dma_wait3A_137 = arith.constant 0 : i32
    %dma_wait3A_138 = tpu.memref_slice %arg7[%dma_wait3A_134, %dma_wait3A_135, %dma_wait3A_136, %dma_wait3A_137] : memref<3x2x256x64xf32, #tpu.memory_space<vmem>> -> memref<1x1x256x64xf32, #tpu.memory_space<vmem>>
    %dma_wait3A_139 = tpu.memref_squeeze %dma_wait3A_138 : memref<1x1x256x64xf32, #tpu.memory_space<vmem>> -> memref<256x64xf32, #tpu.memory_space<vmem>>
    %dma_wait3A_140 = arith.constant 0 : i32
    %dma_wait3A_141 = arith.constant 0 : i32
    %dma_wait3A_142 = tpu.memref_slice %arg5[%dma_wait3A_140, %dma_wait3A_141] : memref<819200x128xf32, #tpu.memory_space<hbm>> -> memref<256x64xf32, #tpu.memory_space<hbm>>
    %dma_wait3A_143 = arith.constant 0 : i32
    %dma_wait3A_144 = arith.constant 0 : i32
    %dma_wait3A_145 = tpu.memref_slice %arg5[%dma_wait3A_143, %dma_wait3A_144] : memref<819200x128xf32, #tpu.memory_space<hbm>> -> memref<256x64xf32, #tpu.memory_space<hbm>>
    %dma_wait3A_146 = arith.constant 0 : i32
    %dma_wait3A_147 = arith.constant 0 : i32
    %dma_wait3A_148 = tpu.memref_slice %arg7[%dma_wait3A_134, %dma_wait3A_135, %dma_wait3A_146, %dma_wait3A_147] : memref<3x2x256x64xf32, #tpu.memory_space<vmem>> -> memref<1x1x256x64xf32, #tpu.memory_space<vmem>>
    %dma_wait3A_149 = tpu.memref_squeeze %dma_wait3A_148 : memref<1x1x256x64xf32, #tpu.memory_space<vmem>> -> memref<256x64xf32, #tpu.memory_space<vmem>>
    tpu.wait_dma2 semaphore(%arg11 : memref<!tpu.dma_semaphore, #tpu.memory_space<semaphore_mem>>) src(%dma_wait3A_149 : memref<256x64xf32, #tpu.memory_space<vmem>>) dst(%dma_wait3A_145 : memref<256x64xf32, #tpu.memory_space<hbm>>)
    %dma_wait3A_150 = arith.constant 0 : i32
    %dma_wait3A_151 = arith.constant 1 : i32
    %dma_wait3A_152 = arith.constant 0 : i32
    %dma_wait3A_153 = arith.constant 0 : i32
    %dma_wait3A_154 = tpu.memref_slice %arg7[%dma_wait3A_150, %dma_wait3A_151, %dma_wait3A_152, %dma_wait3A_153] : memref<3x2x256x64xf32, #tpu.memory_space<vmem>> -> memref<1x1x256x64xf32, #tpu.memory_space<vmem>>
    %dma_wait3A_155 = tpu.memref_squeeze %dma_wait3A_154 : memref<1x1x256x64xf32, #tpu.memory_space<vmem>> -> memref<256x64xf32, #tpu.memory_space<vmem>>
    %dma_wait3A_156 = arith.constant 0 : i32
    %dma_wait3A_157 = arith.constant 0 : i32
    %dma_wait3A_158 = tpu.memref_slice %arg5[%dma_wait3A_156, %dma_wait3A_157] : memref<819200x128xf32, #tpu.memory_space<hbm>> -> memref<256x64xf32, #tpu.memory_space<hbm>>
    %dma_wait3A_159 = arith.constant 0 : i32
    %dma_wait3A_160 = arith.constant 0 : i32
    %dma_wait3A_161 = tpu.memref_slice %arg5[%dma_wait3A_159, %dma_wait3A_160] : memref<819200x128xf32, #tpu.memory_space<hbm>> -> memref<256x64xf32, #tpu.memory_space<hbm>>
    %dma_wait3A_162 = arith.constant 0 : i32
    %dma_wait3A_163 = arith.constant 0 : i32
    %dma_wait3A_164 = tpu.memref_slice %arg7[%dma_wait3A_150, %dma_wait3A_151, %dma_wait3A_162, %dma_wait3A_163] : memref<3x2x256x64xf32, #tpu.memory_space<vmem>> -> memref<1x1x256x64xf32, #tpu.memory_space<vmem>>
    %dma_wait3A_165 = tpu.memref_squeeze %dma_wait3A_164 : memref<1x1x256x64xf32, #tpu.memory_space<vmem>> -> memref<256x64xf32, #tpu.memory_space<vmem>>
    tpu.wait_dma2 semaphore(%arg11 : memref<!tpu.dma_semaphore, #tpu.memory_space<semaphore_mem>>) src(%dma_wait3A_165 : memref<256x64xf32, #tpu.memory_space<vmem>>) dst(%dma_wait3A_161 : memref<256x64xf32, #tpu.memory_space<hbm>>)
    %dma_wait3A_166 = arith.constant 0 : i32
    %dma_wait3A_167 = arith.constant 0 : i32
    %dma_wait3A_168 = arith.constant 0 : i32
    %dma_wait3A_169 = arith.constant 0 : i32
    %dma_wait3A_170 = tpu.memref_slice %arg7[%dma_wait3A_166, %dma_wait3A_167, %dma_wait3A_168, %dma_wait3A_169] : memref<3x2x256x64xf32, #tpu.memory_space<vmem>> -> memref<1x1x256x64xf32, #tpu.memory_space<vmem>>
    %dma_wait3A_171 = tpu.memref_squeeze %dma_wait3A_170 : memref<1x1x256x64xf32, #tpu.memory_space<vmem>> -> memref<256x64xf32, #tpu.memory_space<vmem>>
    %dma_wait3A_172 = arith.constant 0 : i32
    %dma_wait3A_173 = arith.constant 0 : i32
    %dma_wait3A_174 = tpu.memref_slice %arg5[%dma_wait3A_172, %dma_wait3A_173] : memref<819200x128xf32, #tpu.memory_space<hbm>> -> memref<256x64xf32, #tpu.memory_space<hbm>>
    %dma_wait3A_175 = arith.constant 0 : i32
    %dma_wait3A_176 = arith.constant 0 : i32
    %dma_wait3A_177 = tpu.memref_slice %arg5[%dma_wait3A_175, %dma_wait3A_176] : memref<819200x128xf32, #tpu.memory_space<hbm>> -> memref<256x64xf32, #tpu.memory_space<hbm>>
    %dma_wait3A_178 = arith.constant 0 : i32
    %dma_wait3A_179 = arith.constant 0 : i32
    %dma_wait3A_180 = tpu.memref_slice %arg7[%dma_wait3A_166, %dma_wait3A_167, %dma_wait3A_178, %dma_wait3A_179] : memref<3x2x256x64xf32, #tpu.memory_space<vmem>> -> memref<1x1x256x64xf32, #tpu.memory_space<vmem>>
    %dma_wait3A_181 = tpu.memref_squeeze %dma_wait3A_180 : memref<1x1x256x64xf32, #tpu.memory_space<vmem>> -> memref<256x64xf32, #tpu.memory_space<vmem>>
    tpu.wait_dma2 semaphore(%arg11 : memref<!tpu.dma_semaphore, #tpu.memory_space<semaphore_mem>>) src(%dma_wait3A_181 : memref<256x64xf32, #tpu.memory_space<vmem>>) dst(%dma_wait3A_177 : memref<256x64xf32, #tpu.memory_space<hbm>>)
    %dma_wait3A_182 = arith.constant 0 : i32
    %dma_wait3A_183 = arith.constant 1 : i32
    %dma_wait3A_184 = arith.constant 0 : i32
    %dma_wait3A_185 = arith.constant 0 : i32
    %dma_wait3A_186 = tpu.memref_slice %arg7[%dma_wait3A_182, %dma_wait3A_183, %dma_wait3A_184, %dma_wait3A_185] : memref<3x2x256x64xf32, #tpu.memory_space<vmem>> -> memref<1x1x256x64xf32, #tpu.memory_space<vmem>>
    %dma_wait3A_187 = tpu.memref_squeeze %dma_wait3A_186 : memref<1x1x256x64xf32, #tpu.memory_space<vmem>> -> memref<256x64xf32, #tpu.memory_space<vmem>>
    %dma_wait3A_188 = arith.constant 0 : i32
    %dma_wait3A_189 = arith.constant 0 : i32
    %dma_wait3A_190 = tpu.memref_slice %arg5[%dma_wait3A_188, %dma_wait3A_189] : memref<819200x128xf32, #tpu.memory_space<hbm>> -> memref<256x64xf32, #tpu.memory_space<hbm>>
    %dma_wait3A_191 = arith.constant 0 : i32
    %dma_wait3A_192 = arith.constant 0 : i32
    %dma_wait3A_193 = tpu.memref_slice %arg5[%dma_wait3A_191, %dma_wait3A_192] : memref<819200x128xf32, #tpu.memory_space<hbm>> -> memref<256x64xf32, #tpu.memory_space<hbm>>
    %dma_wait3A_194 = arith.constant 0 : i32
    %dma_wait3A_195 = arith.constant 0 : i32
    %dma_wait3A_196 = tpu.memref_slice %arg7[%dma_wait3A_182, %dma_wait3A_183, %dma_wait3A_194, %dma_wait3A_195] : memref<3x2x256x64xf32, #tpu.memory_space<vmem>> -> memref<1x1x256x64xf32, #tpu.memory_space<vmem>>
    %dma_wait3A_197 = tpu.memref_squeeze %dma_wait3A_196 : memref<1x1x256x64xf32, #tpu.memory_space<vmem>> -> memref<256x64xf32, #tpu.memory_space<vmem>>
    tpu.wait_dma2 semaphore(%arg11 : memref<!tpu.dma_semaphore, #tpu.memory_space<semaphore_mem>>) src(%dma_wait3A_197 : memref<256x64xf32, #tpu.memory_space<vmem>>) dst(%dma_wait3A_193 : memref<256x64xf32, #tpu.memory_space<hbm>>)
    %dma_wait3A_198 = arith.constant 0 : i32
    %dma_wait3A_199 = arith.constant 0 : i32
    %dma_wait3A_200 = arith.constant 0 : i32
    %dma_wait3A_201 = arith.constant 0 : i32
    %dma_wait3A_202 = tpu.memref_slice %arg7[%dma_wait3A_198, %dma_wait3A_199, %dma_wait3A_200, %dma_wait3A_201] : memref<3x2x256x64xf32, #tpu.memory_space<vmem>> -> memref<1x1x256x64xf32, #tpu.memory_space<vmem>>
    %dma_wait3A_203 = tpu.memref_squeeze %dma_wait3A_202 : memref<1x1x256x64xf32, #tpu.memory_space<vmem>> -> memref<256x64xf32, #tpu.memory_space<vmem>>
    %dma_wait3A_204 = arith.constant 0 : i32
    %dma_wait3A_205 = arith.constant 0 : i32
    %dma_wait3A_206 = tpu.memref_slice %arg5[%dma_wait3A_204, %dma_wait3A_205] : memref<819200x128xf32, #tpu.memory_space<hbm>> -> memref<256x64xf32, #tpu.memory_space<hbm>>
    %dma_wait3A_207 = arith.constant 0 : i32
    %dma_wait3A_208 = arith.constant 0 : i32
    %dma_wait3A_209 = tpu.memref_slice %arg5[%dma_wait3A_207, %dma_wait3A_208] : memref<819200x128xf32, #tpu.memory_space<hbm>> -> memref<256x64xf32, #tpu.memory_space<hbm>>
    %dma_wait3A_210 = arith.constant 0 : i32
    %dma_wait3A_211 = arith.constant 0 : i32
    %dma_wait3A_212 = tpu.memref_slice %arg7[%dma_wait3A_198, %dma_wait3A_199, %dma_wait3A_210, %dma_wait3A_211] : memref<3x2x256x64xf32, #tpu.memory_space<vmem>> -> memref<1x1x256x64xf32, #tpu.memory_space<vmem>>
    %dma_wait3A_213 = tpu.memref_squeeze %dma_wait3A_212 : memref<1x1x256x64xf32, #tpu.memory_space<vmem>> -> memref<256x64xf32, #tpu.memory_space<vmem>>
    tpu.wait_dma2 semaphore(%arg11 : memref<!tpu.dma_semaphore, #tpu.memory_space<semaphore_mem>>) src(%dma_wait3A_213 : memref<256x64xf32, #tpu.memory_space<vmem>>) dst(%dma_wait3A_209 : memref<256x64xf32, #tpu.memory_space<hbm>>)
    %dma_wait3A_214 = arith.constant 0 : i32
    %dma_wait3A_215 = arith.constant 1 : i32
    %dma_wait3A_216 = arith.constant 0 : i32
    %dma_wait3A_217 = arith.constant 0 : i32
    %dma_wait3A_218 = tpu.memref_slice %arg7[%dma_wait3A_214, %dma_wait3A_215, %dma_wait3A_216, %dma_wait3A_217] : memref<3x2x256x64xf32, #tpu.memory_space<vmem>> -> memref<1x1x256x64xf32, #tpu.memory_space<vmem>>
    %dma_wait3A_219 = tpu.memref_squeeze %dma_wait3A_218 : memref<1x1x256x64xf32, #tpu.memory_space<vmem>> -> memref<256x64xf32, #tpu.memory_space<vmem>>
    %dma_wait3A_220 = arith.constant 0 : i32
    %dma_wait3A_221 = arith.constant 0 : i32
    %dma_wait3A_222 = tpu.memref_slice %arg5[%dma_wait3A_220, %dma_wait3A_221] : memref<819200x128xf32, #tpu.memory_space<hbm>> -> memref<256x64xf32, #tpu.memory_space<hbm>>
    %dma_wait3A_223 = arith.constant 0 : i32
    %dma_wait3A_224 = arith.constant 0 : i32
    %dma_wait3A_225 = tpu.memref_slice %arg5[%dma_wait3A_223, %dma_wait3A_224] : memref<819200x128xf32, #tpu.memory_space<hbm>> -> memref<256x64xf32, #tpu.memory_space<hbm>>
    %dma_wait3A_226 = arith.constant 0 : i32
    %dma_wait3A_227 = arith.constant 0 : i32
    %dma_wait3A_228 = tpu.memref_slice %arg7[%dma_wait3A_214, %dma_wait3A_215, %dma_wait3A_226, %dma_wait3A_227] : memref<3x2x256x64xf32, #tpu.memory_space<vmem>> -> memref<1x1x256x64xf32, #tpu.memory_space<vmem>>
    %dma_wait3A_229 = tpu.memref_squeeze %dma_wait3A_228 : memref<1x1x256x64xf32, #tpu.memory_space<vmem>> -> memref<256x64xf32, #tpu.memory_space<vmem>>
    tpu.wait_dma2 semaphore(%arg11 : memref<!tpu.dma_semaphore, #tpu.memory_space<semaphore_mem>>) src(%dma_wait3A_229 : memref<256x64xf32, #tpu.memory_space<vmem>>) dst(%dma_wait3A_225 : memref<256x64xf32, #tpu.memory_space<hbm>>)
    return
  }
}

</mosaic_0001>

<sc_bundles>
// kernel: kernel.3.cloned.1.call-start
scs
__scs_entry_jumppad:
0x0: {  	(pc) =	sbr.rel $0x88, $3  }
0x1: {  	(tag) =	ssettag $0x0;
	lr =	simm.s32 $0x1  }
0x2: {  	[smem:$0x3F9E] =	sst lr;
	_ =	strace $0xD0000000  }
0x3: {  	_ = 	snop  }
0x4: {  	_ = 	snop  }
0x5: {  	_ = 	snop  }
0x6: {  	_ = 	snop  }
0x7: {  	_ = 	snop  }
__scs_overlays_trampoline_lowered:
0x8: {  	[smem:$0x3FAD] =	sst s0  }
0x9: {  	[smem:$0x3FAE] =	sst s1  }
0xa: {  	[smem:$0x3FAF] =	sst s2  }
0xb: {  	[smem:$0x3FB0] =	sst s3  }
0xc: {  	[smem:$0x3FB1] =	sst s4  }
0xd: {  	[smem:$0x3FB2] =	sst s5  }
0xe: {  	[smem:$0x3FB3] =	sst s6  }
0xf: {  	[smem:$0x3FB4] =	sst s7  }
0x10: {  	[smem:$0x3FB5] =	sst s8  }
0x11: {  	[smem:$0x3FB6] =	sst s9;
	s0 =	simm.s32 @!p0 $0x0  }
0x12: {  	s1 =	sld [smem:$0x3F9C];
	s0 =	simm.s32 @p0 $0x1  }
0x13: {  	[smem:$0x3FB7] =	sst s0;
	s0 =	simm.s32 @!p1 $0x0  }
0x14: {  	s2 =	sld [smem:$0x3F9B];
	s0 =	simm.s32 @p1 $0x1  }
0x15: {  	[smem:$0x3FB8] =	sst s0;
	s0 =	simm.s32 @!p2 $0x0  }
0x16: {  	s3 =	sld [smem:$0x3FDB];
	s0 =	simm.s32 @p2 $0x1  }
0x17: {  	s4 =	simm.s32 $0x1BF5;
	[smem:$0x3FBA] =	sst s0  }
0x18: {  	s0 =	sld [smem:$0x3F9D];
	_ =	swait.ge [sflag:s4], $0x0  }
0x19: {  	s7 =	sld [smem:$0x3F9E]  }
0x1a: {  	s8 =	sadd.s32 $0xFFFFE003, lr  }
0x1b: {  	s9 =	sadd.s32 $0xFFFFFEF7, lr;
	s5 =	simm.s32 $0xFFFFFFFF;
	p2 =	slt.u32 s8, $0xFFFFF086  }
0x1c: {  	p1 =	slt.u32 s9, $0xF7A;
	s5 =	simm.s32 @!p2 $0x0  }
0x1d: {  	s5 =	simm.s32 @p1 $0x1;
	p0 =	seq.s32 s7, s2  }
0x1e: {  	s7 =	smul.u32 @!p0 $0xF7A, s2;
	p2 =	seq.s32 @!p0 s5, $0x0  }
0x1f: {  	s9 =	smul.u32 $0xF7A, s1;
	s8 =	simm.s32 @!p0 $0x1BF5;
	p2 =	por !p2, p0  }
0x20: {  	[sflag:s8] =	ssyncset.s32 @!p0 $0xFFFFF086;
	s6 =	sadd.s32 @!p0 s3, s7;
	s7 =	simm.s32 @!p0 $0x108  }
0x21: {  	s3 =	sadd.s32 s3, s9;
	s6 =	sadd.s32 @!p0 $0x88, s6;
	s7 =	simm.s32 @p2 $0x1082  }
0x22: {  	[simem:s7], [sflag:s8] =	dma.local @!p0 [hbm:s6], $0xF7A  }
0x23: {  	s9 =	sor.u32 $0xD0000000, s2;
	s6 =	simm.s32 $0x108;
	_ =	swait.ge @!p0 [sflag:s8], $0x0  }
0x24: {  	s3 =	sadd.s32 $0x88, s3;
	s6 =	simm.s32 @!p1 $0x1082;
	[sflag:s4] =	ssyncset.s32 $0xFFFFF086  }
0x25: {  	[simem:s6], [sflag:s4] =	dma.local [hbm:s3], $0xF7A  }
0x26: {  	[smem:$0x3F9E] =	sst s1;
	(tag) =	ssettag s2;
	_ =	strace s9  }
0x27: {  	s1 =	sld [smem:$0x3FAE]  }
0x28: {  	s2 =	sld [smem:$0x3FAF]  }
0x29: {  	s4 =	sld [smem:$0x3FB1]  }
0x2a: {  	p0 =	seq.s32 s5, $0x0;
	s5 =	sld [smem:$0x3FB2]  }
0x2b: {  	s6 =	sld [smem:$0x3FB3]  }
0x2c: {  	s7 =	sld [smem:$0x3FB4]  }
0x2d: {  	s3 =	simm.s32 $0x108;
	s8 =	sld [smem:$0x3FB5]  }
0x2e: {  	s3 =	simm.s32 @!p0 $0x1082;
	s9 =	sld [smem:$0x3FB6]  }
0x2f: {  	lr =	sadd.s32 s0, s3;
	s0 =	sld [smem:$0x3FAD]  }
0x30: {  	s3 =	sld [smem:$0x3FB0]  }
0x31: {  	[smem:$0x3FB9] =	sst s10  }
0x32: {  	s10 =	sld [smem:$0x3FB7];
	_ =	sdelay $0x3  }
0x33: {  	p0 =	seq.s32 s10, $0x1;
	s10 =	sld [smem:$0x3FB9];
	_ =	sdelay $0x3  }
0x34: {  	[smem:$0x3FB9] =	sst s10  }
0x35: {  	s10 =	sld [smem:$0x3FB8];
	_ =	sdelay $0x3  }
0x36: {  	p1 =	seq.s32 s10, $0x1;
	s10 =	sld [smem:$0x3FB9];
	_ =	sdelay $0x3  }
0x37: {  	[smem:$0x3FB9] =	sst s10  }
0x38: {  	s10 =	sld [smem:$0x3FBA]  }
0x39: {  	_ = 	snop;
	(pc) =	sbr.ind lr, $3  }
0x3a: {  	_ = 	snop  }
0x3b: {  	_ = 	snop  }
0x3c: {  	p2 =	seq.s32 s10, $0x1;
	s10 =	sld [smem:$0x3FB9]  }
0x3d: {  	_ =	shalt  }
0x3e: {  	_ =	shalt  }
0x3f: {  	_ =	shalt  }
0x40: {  	_ =	shalt  }
0x41: {  	_ =	shalt  }
0x42: {  	_ =	shalt  }
0x43: {  	_ =	shalt  }
0x44: {  	_ =	shalt  }
0x45: {  	_ =	shalt  }
0x46: {  	_ =	shalt  }
0x47: {  	_ =	shalt  }
0x48: {  	_ =	shalt  }
0x49: {  	_ =	shalt  }
0x4a: {  	_ =	shalt  }
0x4b: {  	_ =	shalt  }
0x4c: {  	_ =	shalt  }
0x4d: {  	_ =	shalt  }
0x4e: {  	_ =	shalt  }
0x4f: {  	_ =	shalt  }
0x50: {  	_ =	shalt  }
0x51: {  	_ =	shalt  }
0x52: {  	_ =	shalt  }
0x53: {  	_ =	shalt  }
0x54: {  	_ =	shalt  }
0x55: {  	_ =	shalt  }
0x56: {  	_ =	shalt  }
0x57: {  	_ =	shalt  }
0x58: {  	_ =	shalt  }
0x59: {  	_ =	shalt  }
0x5a: {  	_ =	shalt  }
0x5b: {  	_ =	shalt  }
0x5c: {  	_ =	shalt  }
0x5d: {  	_ =	shalt  }
0x5e: {  	_ =	shalt  }
0x5f: {  	_ =	shalt  }
0x60: {  	_ =	shalt  }
0x61: {  	_ =	shalt  }
0x62: {  	_ =	shalt  }
0x63: {  	_ =	shalt  }
0x64: {  	_ =	shalt  }
0x65: {  	_ =	shalt  }
0x66: {  	_ =	shalt  }
0x67: {  	_ =	shalt  }
0x68: {  	_ =	shalt  }
0x69: {  	_ =	shalt  }
0x6a: {  	_ =	shalt  }
0x6b: {  	_ =	shalt  }
0x6c: {  	_ =	shalt  }
0x6d: {  	_ =	shalt  }
0x6e: {  	_ =	shalt  }
0x6f: {  	_ =	shalt  }
0x70: {  	_ =	shalt  }
0x71: {  	_ =	shalt  }
0x72: {  	_ =	shalt  }
0x73: {  	_ =	shalt  }
0x74: {  	_ =	shalt  }
0x75: {  	_ =	shalt  }
0x76: {  	_ =	shalt  }
0x77: {  	_ =	shalt  }
0x78: {  	_ =	shalt  }
0x79: {  	_ =	shalt  }
0x7a: {  	_ =	shalt  }
0x7b: {  	_ =	shalt  }
0x7c: {  	_ =	shalt  }
0x7d: {  	_ =	shalt  }
0x7e: {  	_ =	shalt  }
0x7f: {  	_ =	shalt  }
0x80: {  	_ =	shalt  }
0x81: {  	_ =	shalt  }
0x82: {  	_ =	shalt  }
0x83: {  	_ =	shalt  }
0x84: {  	_ =	shalt  }
0x85: {  	_ =	shalt  }
0x86: {  	_ =	shalt  }
0x87: {  	_ =	shalt  }
.Lfunc_end0:
.L_simem_size_0:
called_computation_lowered:
.L_overlay_start_0:
0x88: {  	s2 =	sld [smem:$0x3FD9]  }
0x89: {  	s3 =	sld [smem:$0x3FFE];
	_ =	sdelay $0x1  }
0x8a: {  	s1 =	srdreg.scid  }
0x8b: {  	s0 =	sand.u32 $0x1, s1  }
0x8c: {  	s17 =	sshll.u32 s0, $0xA;
	s2 =	sadd.s32 s3, s2  }
0x8d: {  	s2 =	sadd.s32 s2, s17  }
0x8e: {  	[smem:$0x3FC5] =	sst s2  }
0x8f: {  	_ = 	snop  }
0x90: {  	s2 =	sld [smem:$0x3FD0];
	(tm) =	ssettm $0x1  }
0x91: {  	s18 =	sld [smem:$0x3FFB];
	_ =	sdelay $0x3  }
0x92: {  	_ =	strace s18  }
0x93: {  	s3 =	sld [smem:$0x3FFC];
	_ =	sdelay $0x3  }
0x94: {  	_ =	strace s3  }
0x95: {  	s3 =	sld [smem:$0x3FFD];
	_ =	sdelay $0x3  }
0x96: {  	_ =	strace s3  }
0x97: {  	_ =	strace $0x8FFFFFFF  }
0x98: {  	s19 =	sld [smem:$0x3FDB];
	_ =	sdelay $0x1  }
0x99: {  	s4 =	simm.s32 $_scs_section_size  }
0x9a: {  	s5 =	simm.s32 $_size__tile_overlayer_lowered;
	s6 =	simm.s32 $_tile_overlayer_lowered  }
0x9b: {  	s22 =	simm.s32 $0x1BFF;
	s21 =	sshll.u32 s6, $0x1;
	s3 =	sadd.s32 s4, s19  }
0x9c: {  	s7 =	simm.s32 $0x0;
	s20 =	sshll.u32 s5, $0x1;
	s5 =	sadd.s32 s21, s3  }
0x9d: {  	[timem:s7], [sflag:s22] =	dma.local [hbm:s5], s20  }
0x9e: {  	_ =	swait.ge [sflag:s22], s20  }
0x9f: {  	s4 =	ssub.s32 $0x0, s20;
	[sflag:s22] =	ssyncset.done $0x0  }
0xa0: {  	[sflag:s22] =	ssyncadd.s32 s4;
	_ =	sdelay $0x1  }
0xa1: {  	s23 =	simm.s32 $0x1B8B  }
0xa2: {  	_ =	swait.ge [sflag:s23], $0x1  }
0xa3: {  	[sflag:s23] =	ssyncset.done $0x0  }
0xa4: {  	s25 =	simm.s32 $0x1B8E;
	s24 =	sld [smem:$0x3FFE];
	[sflag:s23] =	ssyncadd.s32 $0xFFFFFFFF  }
0xa5: {  	s26 =	simm.s32 $execute0_lowered;
	[smem:$0x3FD2] =	sst s25  }
0xa6: {  	s5 =	sshll.u32 s26, $0x1;
	_ =	strace $0x80000046;
	[dreg:$0x1] =	wrdreg $0xFFFFFFFF  }
0xa7: {  	s28 =	simm.s32 $_size_execute0_lowered;
	s3 =	sadd.s32 s3, s5;
	[dreg:$0x0] =	wrdreg $0x0  }
0xa8: {  	s5 =	sshll.u32 s28, $0x1;
	[dreg:$0x2] =	wrdreg s3  }
0xa9: {  	[dreg:$0x3] =	wrdreg s5  }
0xaa: {  	[dreg:$0x4] =	wrdreg $0xC0  }
0xab: {  	_ =	task [dreg:s7], $0x5FFFF  }
0xac: {  	[dreg:$0x1] =	wrdreg $0xFFFFFFFF  }
0xad: {  	[dreg:$0x0] =	wrdreg $0x60  }
0xae: {  	[dreg:$0x2] =	wrdreg s24  }
0xaf: {  	[dreg:$0x3] =	wrdreg s2  }
0xb0: {  	[dreg:$0x4] =	wrdreg $0x186000  }
0xb1: {  	[dreg:$0x5] =	wrdreg $0x9  }
0xb2: {  	_ =	task.clear_ibuf [dreg:s7], $0x6FFFF;
	_ =	strace $0x90000046  }
0xb3: {  	s29 =	simm.s32 $0x9;
	_ =	strace $0x80000048  }
0xb4: {  	_ =	swait.ge [sflag:s29], $0x1  }
0xb5: {  	[sflag:s29] =	ssyncadd.s32 $0xFFFFFFFF  }
0xb6: {  	_ =	strace $0x90000048  }
0xb7: {  	_ =	sfence  }
0xb8: {  	s30 =	sld [smem:$0x0];
	_ =	sdelay $0x2  }
0xb9: {  	s31 =	sshll.u32 s1, $0xD;
	s1 =	sshrl.u32 s1, $0x2  }
0xba: {  	s3 =	sand.u32 $0x4000, s31;
	s1 =	sadd.s32 s1, s30  }
0xbb: {  	s0 =	sor.u32 s3, s0;
	s1 =	sshll.u32 s1, $0x11  }
0xbc: {  	s0 =	sor.u32 s1, s0  }
0xbd: {  	s0 =	sadd.s32 $0x8F2B, s0  }
0xbe: {  	[sflag:s0] =	ssyncadd.remote.s32 $0x1  }
0xbf: {  	_ =	sfence.sel $0xFFFF  }
0xc0: {  	[dreg:$0x0] =	wrdreg $0xFFFFFFFF;
	(pc) =	sbr.abs _section_cstart, $3  }
0xc1: {  	[dreg:$0x1] =	wrdreg $0xFFFFFFFF  }
0xc2: {  	_ =	task.clear_ibuf [dreg:s7], $0x2FFFF;
	_ =	strace $0x9FFFFFFF  }
0xc3: {  	(tm) =	ssettm $0x7FFFFFFF  }
tec
execute0_lowered:
.L_overlay_start_1:
0x0: {  	(tag) =	ssettag $0x1  }
0x1: {  	s4 =	rddreg [dreg:$0x0]  }
0x2: {  	s9 =	rddreg [dreg:$0x1]  }
0x3: {  	s1 =	rddreg [dreg:$0x2];
	s2 =	simm.s32 $0x0;
	s3 =	srdreg.scid  }
0x4: {  	s12 =	stileid.u32;
	s17 =	simm.s32 $0x4600;
	s18 =	simm.s32 $0x2  }
0x5: {  	s19 =	simm.s32 $0x1;
	s20 =	simm.s32 $0x40;
	s21 =	simm.s32 $0x80  }
0x6: {  	s22 =	simm.s32 $0x3;
	s23 =	simm.s32 $0x0;
	[smem:$0x7FF] =	sst s2  }
0x7: {  	s8 =	sand.u32 $0x1, s3;
	s25 =	sshll.u32 s12, $0x1;
	s3 =	sadd.s32 $0x600, s4  }
0x8: {  	s10 =	sadd.s32 $0x1E00, s4;
	s11 =	smul.u32 $0xC8, s12;
	s13 =	sadd.s32 $0x1AE00, s4  }
0x9: {  	s28 =	smul.u32 $0xC8000, s12;
	p0 =	sne.s32 s12, $0x0;
	_ =	strace $0x80000047  }
0xa: {  	s5 =	sor.u32 s8, s25;
	s6 =	ssub.s32 $0x2, s8;
	s15 =	smul.u32 $0x64, s8  }
0xb: {  	s16 =	smul.u32 $0x64000, s8;
	s12 =	sshrl.u32 @!p0 s1, $0x3;
	s26 =	sshrl.u32 s6, $0x1  }
0xc: {  	s7 =	smul.u32 $0xC80, s5;
	s29 =	sadd.s32 s28, s9;
	s14 =	ssub.s32 s6, s26  }
0xd: {  	s11 =	sadd.s32 s15, s11;
	s31 =	sadd.s32 s16, s29;
	s15 =	simm.s32 $0x300  }
.Ltmp0:
0xe: {  	s16 =	simm.s32 $0x600;
	s4 =	sadd.s32 s10, s7;
	(pc) =	sbr.rel .LBB2_1-.Ltmp0, $4  }
0xf: {  	s5 =	sadd.s32 s13, s7;
	s7 =	sor.u32 $0x20, s7;
	s11 =	sshll.u32 s11, $0x5  }
0x10: {  	s8 =	smax.u32 s14, $0x1;
	s6 =	sadd.s32 s10, s7;
	s7 =	sadd.s32 s13, s7  }
0x11: {  	s10 =	sadd.s32 s11, s10;
	s30 =	sadd.s32 s11, s13;
	s11 =	sadd.s32 $0x8, s31  }
0x12: {  	s13 =	simm.s32 $0x100;
	s9 =	sadd.s32 $0x40, s10;
	s10 =	sadd.s32 $0x40, s30  }
.LBB2_7:
0x13: {  	_ =	swait.ge [sflag:s22], $0x4000  }
0x14: {  	[sflag:s22] =	ssyncset.done $0x0  }
0x15: {  	[sflag:s22] =	ssyncadd.s32 $0xFFFFC000  }
0x16: {  	_ =	swait.ge [sflag:s22], $0x4000  }
0x17: {  	[sflag:s22] =	ssyncset.done $0x0  }
0x18: {  	[sflag:s22] =	ssyncadd.s32 $0xFFFFC000  }
0x19: {  	_ =	swait.ge [sflag:s22], $0x4000  }
0x1a: {  	[sflag:s22] =	ssyncset.done $0x0  }
0x1b: {  	[sflag:s22] =	ssyncadd.s32 $0xFFFFC000  }
0x1c: {  	_ =	swait.ge [sflag:s22], $0x4000  }
0x1d: {  	[sflag:s22] =	ssyncset.done $0x0  }
0x1e: {  	s23 =	sadd.s32 $0x1, s23;
	[sflag:s22] =	ssyncadd.s32 $0xFFFFC000  }
0x1f: {  	p1 =	sne.s32 s23, s8;
	_ =	swait.ge [sflag:s22], $0x4000  }
.Ltmp1:
0x20: {  	[sflag:s22] =	ssyncset.done $0x0;
	(pc) =	sbr.rel @!p1 .LBB2_8-.Ltmp1, $4  }
0x21: {  	[sflag:s22] =	ssyncadd.s32 $0xFFFFC000  }
0x22: {  	_ =	swait.ge [sflag:s22], $0x4000  }
0x23: {  	[sflag:s22] =	ssyncset.done $0x0  }
0x24: {  	[sflag:s22] =	ssyncadd.s32 $0xFFFFC000  }
.LBB2_1:
0x25: {  	s24 =	simm.s32 @!p0 $0x1C04  }
0x26: {  	[spmem:s12], [sflag:s24] =	dma.local @!p0 [hbm:s3], $0x1770  }
0x27: {  	s24 =	simm.s32 @!p0 $0x4  }
0x28: {  	_ =	swait.ge @!p0 [sflag:s24], $0x1770  }
0x29: {  	[sflag:s24] =	ssyncset.done @!p0 $0x0  }
0x2a: {  	[sflag:s24] =	ssyncadd.s32 @!p0 $0xFFFFE890  }
0x2b: {  	[bflag:$0x0] =	sbarrier.arrive $0xFFFF  }
0x2c: {  	[tilespmem:s2], [sflag:$0x2] =	stream.linear.gather [hbm4b:s4+s2], $0x100, $0x38;
	[tilespmem:$0x191B8] =	vst v63  }
0x2d: {  	_ = 	snop  }
0x2e: {  	[tilespmem:s13], [sflag:$0x2] =	stream.linear.gather [hbm4b:s5+s2], $0x100, $0x38;
	[tilespmem:$0x191B8] =	vst v63  }
0x2f: {  	s0 =	simm.s32 $0x200  }
0x30: {  	[tilespmem:s0], [sflag:$0x2] =	stream.linear.gather [hbm4b:s6+s2], $0x100, $0x38;
	[tilespmem:$0x191B8] =	vst v63  }
0x31: {  	_ = 	snop  }
0x32: {  	[tilespmem:s15], [sflag:$0x2] =	stream.linear.gather [hbm4b:s7+s2], $0x100, $0x38;
	[tilespmem:$0x191B8] =	vst v63  }
0x33: {  	_ =	swait.ge [sflag:s18], $0x100  }
0x34: {  	[sflag:s18] =	ssyncset.done $0x0  }
0x35: {  	[sflag:s18] =	ssyncadd.s32 $0xFFFFFF00  }
0x36: {  	_ =	swait.ge [sflag:s18], $0x100  }
.Ltmp2:
0x37: {  	[sflag:s18] =	ssyncset.done $0x0;
	(pc) =	sbr.rel .LBB2_2-.Ltmp2, $4  }
0x38: {  	s25 =	smov.u32 s10;
	[sflag:s18] =	ssyncadd.s32 $0xFFFFFF00  }
0x39: {  	[tilespmem:s16], [sflag:$0x1] =	stream.indirect.gather [spmem:s1], $0x40, s2, s13, $0xb8;
	[tilespmem:$0x191B8] =	vst v63  }
0x3a: {  	s26 =	smov.u32 s9;
	s28 =	simm.s32 $0x2;
	s24 =	smov.u32 s11  }
0x3b: {  	[tilespmem:s17], [sflag:$0x1] =	stream.indirect.gather [spmem:s1], $0x40, s13, s13, $0xb8;
	[tilespmem:$0x191B8] =	vst v63  }
.LBB2_3:
0x3c: {  	s31 =	sshrl.u32 s30, $0x9  }
0x3d: {  	s31 =	sand.u32 $0x7F, s31  }
0x3e: {  	s31 =	smul.u32 $0x3, s31;
	_ =	sdelay $0x1  }
0x3f: {  	s31 =	ssub.s32 s28, s31  }
0x40: {  	s31 =	sand.u32 $0xFF, s31  }
0x41: {  	s31 =	sshll.u32 s31, $0x9  }
0x42: {  	[tilespmem:s31], [sflag:$0x2] =	stream.linear.gather [hbm4b:s26+s2], $0x100, $0x38;
	[tilespmem:$0x191B8] =	vst v63  }
0x43: {  	s31 =	sor.u32 $0x100, s31  }
0x44: {  	[tilespmem:s31], [sflag:$0x2] =	stream.linear.gather [hbm4b:s25+s2], $0x100, $0x38;
	[tilespmem:$0x191B8] =	vst v63  }
.LBB2_5:
0x45: {  	_ =	swait.ge [sflag:s18], $0x100  }
0x46: {  	[sflag:s18] =	ssyncset.done $0x0  }
0x47: {  	s31 =	sadd.s32 $0xFFFFFF55, s30;
	[sflag:s18] =	ssyncadd.s32 $0xFFFFFF00  }
0x48: {  	s31 =	sshrl.u32 s31, $0x9;
	_ =	swait.ge [sflag:s18], $0x100  }
0x49: {  	p1 =	slt.u32 s29, $0x2;
	s31 =	sand.u32 $0x7F, s31;
	[sflag:s18] =	ssyncset.done $0x0  }
0x4a: {  	s0 =	simm.s32 @!p1 $0x3;
	s31 =	smul.u32 $0x3, s31;
	[sflag:s18] =	ssyncadd.s32 $0xFFFFFF00  }
0x4b: {  	_ =	swait.ge @!p1 [sflag:s0], $0x4000  }
0x4c: {  	s31 =	sxor.u32 $0xFFFFFFFF, s31;
	[sflag:s0] =	ssyncset.done @!p1 $0x0  }
0x4d: {  	s31 =	sadd.s32 s28, s31;
	[sflag:s0] =	ssyncadd.s32 @!p1 $0xFFFFC000  }
0x4e: {  	s31 =	sand.u32 $0xFF, s31;
	_ =	swait.ge @!p1 [sflag:s0], $0x4000  }
0x4f: {  	s14 =	sshll.u32 s31, $0xF;
	[sflag:s0] =	ssyncset.done @!p1 $0x0  }
0x50: {  	s31 =	sshll.u32 s31, $0x9;
	[sflag:s0] =	ssyncadd.s32 @!p1 $0xFFFFC000;
	s0 =	sor.u32 $0x600, s14  }
0x51: {  	[tilespmem:s0], [sflag:$0x1] =	stream.indirect.gather [spmem:s1], $0x40, s31, s13, $0xb8;
	[tilespmem:$0x191B8] =	vst v63  }
0x52: {  	s14 =	sor.u32 $0x4600, s14;
	s31 =	sor.u32 $0x100, s31  }
0x53: {  	[tilespmem:s14], [sflag:$0x1] =	stream.indirect.gather [spmem:s1], $0x40, s31, s13, $0xb8;
	[tilespmem:$0x191B8] =	vst v63  }
.LBB2_6:
0x54: {  	s0 =	sadd.s32 $0xFFFFFEAA, s30  }
0x55: {  	s0 =	sshrl.u32 s0, $0x9  }
0x56: {  	s0 =	sand.u32 $0x7F, s0  }
0x57: {  	_ =	swait.ge [sflag:s19], $0x4000;
	s0 =	smul.u32 $0x3, s0  }
0x58: {  	[sflag:s19] =	ssyncset.done $0x0  }
0x59: {  	s14 =	sadd.s32 $0xFFFFFFF8, s24;
	[sflag:s19] =	ssyncadd.s32 $0xFFFFC000;
	s0 =	ssub.s32 s29, s0  }
0x5a: {  	s28 =	sadd.s32 $0x1, s28;
	_ =	swait.ge [sflag:s19], $0x4000;
	s0 =	sand.u32 $0xFF, s0  }
0x5b: {  	p1 =	sne.s32 s28, $0x66;
	[sflag:s19] =	ssyncset.done $0x0;
	s0 =	sshll.u32 s0, $0xF  }
.Ltmp3:
0x5c: {  	[sflag:s19] =	ssyncadd.s32 $0xFFFFC000;
	s31 =	sor.u32 $0x600, s0;
	(pc) =	sbr.rel @!p1 .LBB2_7-.Ltmp3, $4  }
0x5d: {  	[hbm4b:s14+s20] =	stream.strided.scatter [tilespmem:s31], [sflag:$0x3], $0x4000, s21, s20, $0x38;
	[tilespmem:$0x191B8] =	vst v63  }
0x5e: {  	s0 =	sor.u32 $0x4600, s0  }
0x5f: {  	[hbm4b:s24+s20] =	stream.strided.scatter [tilespmem:s0], [sflag:$0x3], $0x4000, s21, s20, $0x38;
	[tilespmem:$0x191B8] =	vst v63  }
0x60: {  	s26 =	sadd.s32 $0x20, s26;
	s25 =	sadd.s32 $0x20, s25;
	s24 =	sadd.s32 $0x1000, s24  }
.LBB2_2:
0x61: {  	s29 =	sadd.s32 $0xFFFFFFFE, s28  }
0x62: {  	p1 =	sgt.u32 s29, $0x61  }
.Ltmp4:
0x63: {  	_ = 	snop;
	(pc) =	sbr.rel @!p1 .LBB2_3-.Ltmp4, $2  }
0x64: {  	_ =	sdelay $0x1  }
0x65: {  	s30 =	smul.u32 $0xAB, s28;
	_ =	sdelay $0x1  }
0x66: {  	p1 =	seq.s32 s28, $0x65  }
.Ltmp5:
0x67: {  	_ = 	snop;
	(pc) =	sbr.rel @p1 .LBB2_6-.Ltmp5, $4  }
.Ltmp6:
0x68: {  	_ = 	snop;
	(pc) =	sbr.rel @!p1 .LBB2_5-.Ltmp6, $4  }
0x69: {  	_ = 	snop  }
0x6a: {  	_ = 	snop  }
0x6b: {  	_ = 	snop  }
0x6c: {  	_ = 	snop  }
.LBB2_8:
0x6d: {  	_ =	sfence.sel $0x180000  }
0x6e: {  	[bflag:$0x0] =	sbarrier.arrive $0xFFFF  }
0x6f: {  	_ =	strace $0x90000047  }
0x70: {  	[bflag:$0x2] =	sbarrier.arrive $0xFFFF  }
0x71: {  	s0 =	rddreg [dreg:$0x3]  }
0x72: {  	s0 =	sadd.s32 @!p0 $0x100000, s0  }
0x73: {  	[sflag:s0] =	ssyncadd.tile.s32 @!p0 $0x1;
	_ =	shalt  }
.Lfunc_end2:
_tile_overlayer_lowered:
.L_overlay_start_2:
0x74: {  	(tag) =	ssettag $0x2  }
0x75: {  	s0 =	rddreg [dreg:$0x0];
	s2 =	stileid.u32  }
0x76: {  	s1 =	rddreg [dreg:$0x1];
	p0 =	sne.s32 s2, $0x0  }
0x77: {  	s3 =	rddreg [dreg:$0x2];
	[bflag:$0x3] =	sbarrier.arrive $0xFFFF;
	s2 =	simm.s32 @!p0 $0x1C04  }
0x78: {  	[timem:s3], [sflag:s2] =	dma.local @!p0 [hbm:s0], s1  }
0x79: {  	s0 =	simm.s32 @!p0 $0x4  }
0x7a: {  	_ =	swait.ge @!p0 [sflag:s0], s1  }
0x7b: {  	s1 =	ssub.s32 @!p0 $0x0, s1;
	[sflag:s0] =	ssyncset.done @!p0 $0x0  }
0x7c: {  	[sflag:s0] =	ssyncadd.s32 @!p0 s1  }
0x7d: {  	[bflag:$0x3] =	sbarrier.arrive $0xFFFF  }
0x7e: {  	_ =	shalt  }

</sc_bundles>
